<compile_context>
chip_gen: v7x
topology: tpu7x:2x2x1
jax: 0.10.2.dev20260603
libtpu: 0.0.44.dev20260713+nightly
codegen_flags: <defaults>
</compile_context>

<pallas_src>
import functools

import jax
import jax.numpy as jnp
from jax import lax
from jax.experimental import pallas as pl
from jax.experimental.pallas import tpu as pltpu
from jax.experimental.pallas import tpu_sc as plsc

N = 10000
E = 320000
D = 128
HE = 64
H = 128

NC = 2
NS = 16
NW = NC * NS
CH = 128
NCHUNK = 79
EPT = NCHUNK * CH
EPAD = NW * EPT
NP = 10240
W = 8

_mesh = plsc.VectorSubcoreMesh(core_axis_name="c", subcore_axis_name="s")
_sc_params = pltpu.CompilerParams(use_tc_tiling_on_sc=False)


@functools.partial(
    pl.kernel,
    out_type=jax.ShapeDtypeStruct((NC, NP, W), jnp.float32),
    mesh=_mesh,
    scratch_types=[
        pltpu.VMEM((NCHUNK, CH), jnp.int32),
        pltpu.VMEM((NCHUNK, CH), jnp.int32),
        pltpu.VMEM((CH, W), jnp.float32),
        pltpu.VMEM((CH, W), jnp.float32),
        pltpu.VMEM_SHARED((NP, W), jnp.float32),
        pltpu.SemaphoreType.DMA,
    ],
    compiler_params=_sc_params,
)
def _k1_degrees(edge_hbm, onesa_hbm, onesb_hbm, zeros_hbm, degp_hbm,
                src_v, dst_v, onesa_v, onesb_v, deg_s, sem):
    cid = lax.axis_index("c")
    sid = lax.axis_index("s")
    wid = sid * NC + cid
    pltpu.sync_copy(onesa_hbm, onesa_v)
    pltpu.sync_copy(onesb_hbm, onesb_v)
    pltpu.sync_copy(edge_hbm.at[0, wid], src_v)
    pltpu.sync_copy(edge_hbm.at[1, wid], dst_v)

    @pl.when(sid == 0)
    def _():
        pltpu.sync_copy(zeros_hbm, deg_s)

    plsc.subcore_barrier()

    def fire(j, c):
        pltpu.async_copy(onesa_v, deg_s.at[src_v.at[j]], sem, add=True)
        pltpu.async_copy(onesb_v, deg_s.at[dst_v.at[j]], sem, add=True)
        return c

    lax.fori_loop(0, NCHUNK, fire, 0)

    def drain(j, c):
        pltpu.make_async_copy(onesa_v, deg_s.at[src_v.at[j]], sem).wait()
        pltpu.make_async_copy(onesb_v, deg_s.at[dst_v.at[j]], sem).wait()
        return c

    lax.fori_loop(0, NCHUNK, drain, 0)
    plsc.subcore_barrier()

    @pl.when(sid == 0)
    def _():
        pltpu.sync_copy(deg_s, degp_hbm.at[cid])


def _k2_body(degp_ref, x_ref, we_ref, fe_ref, wg_ref, cw_ref,
             norms_ref, v_ref):
    deg = degp_ref[0] + degp_ref[1]
    norms = lax.rsqrt(jnp.maximum(deg[:, 0:2], 1.0))
    norms_ref[...] = norms
    wv0 = jnp.dot(we_ref[...], fe_ref[...], preferred_element_type=jnp.float32)
    wv1 = jnp.dot(wg_ref[...], cw_ref[...], preferred_element_type=jnp.float32)
    wv = jnp.concatenate([wv0, wv1], axis=1)
    u = jnp.dot(x_ref[...], wv, preferred_element_type=jnp.float32)
    v2 = u * norms[:, 0:1]
    v_ref[...] = jnp.concatenate(
        [v2, jnp.zeros((NP, W - 2), jnp.float32)], axis=1)


_k2 = pl.pallas_call(
    _k2_body,
    out_shape=(
        jax.ShapeDtypeStruct((NP, 2), jnp.float32),
        jax.ShapeDtypeStruct((NP, W), jnp.float32),
    ),
)


@functools.partial(
    pl.kernel,
    out_type=jax.ShapeDtypeStruct((NC, NP, W), jnp.float32),
    mesh=_mesh,
    scratch_types=[
        pltpu.VMEM((NCHUNK, CH), jnp.int32),
        pltpu.VMEM((NCHUNK, CH), jnp.int32),
        pltpu.VMEM((NCHUNK, CH, W), jnp.float32),
        pltpu.VMEM_SHARED((NP, W), jnp.float32),
        pltpu.SemaphoreType.DMA,
        pltpu.SemaphoreType.DMA,
    ],
    compiler_params=_sc_params,
)
def _k3_edges(edge_hbm, v_hbm, zeros_hbm, aggp_hbm,
              src_v, dst_v, vals_v, agg_s, gsem, ssem):
    cid = lax.axis_index("c")
    sid = lax.axis_index("s")
    wid = sid * NC + cid
    pltpu.sync_copy(edge_hbm.at[0, wid], src_v)
    pltpu.sync_copy(edge_hbm.at[1, wid], dst_v)

    @pl.when(sid == 0)
    def _():
        pltpu.sync_copy(zeros_hbm, agg_s)

    def gfire(j, c):
        pltpu.async_copy(v_hbm.at[src_v.at[j]], vals_v.at[j], gsem)
        return c

    lax.fori_loop(0, NCHUNK, gfire, 0)

    def gdrain(j, c):
        pltpu.make_async_copy(v_hbm.at[src_v.at[j]], vals_v.at[j],
                              gsem).wait()
        return c

    lax.fori_loop(0, NCHUNK, gdrain, 0)
    plsc.subcore_barrier()

    def sfire(j, c):
        pltpu.async_copy(vals_v.at[j], agg_s.at[dst_v.at[j]], ssem,
                         add=True)
        return c

    lax.fori_loop(0, NCHUNK, sfire, 0)

    def sdrain(j, c):
        pltpu.make_async_copy(vals_v.at[j], agg_s.at[dst_v.at[j]],
                              ssem).wait()
        return c

    lax.fori_loop(0, NCHUNK, sdrain, 0)
    plsc.subcore_barrier()

    @pl.when(sid == 0)
    def _():
        pltpu.sync_copy(agg_s, aggp_hbm.at[cid])


def _k4_body(aggp_ref, ni_ref, be_ref, fe_ref, feb_ref, bg_ref, cw_ref,
             cb_ref, y_ref, s_ref):
    agg = aggp_ref[0] + aggp_ref[1]
    a = agg[:N]
    ni = ni_ref[...]
    cs = jnp.sum(jnp.dot(be_ref[...], fe_ref[...],
                         preferred_element_type=jnp.float32)) + jnp.sum(feb_ref[...])
    cy = jnp.sum(jnp.dot(bg_ref[...], cw_ref[...],
                         preferred_element_type=jnp.float32)) + jnp.sum(cb_ref[...])
    s_ref[...] = a[:, 0:1] * ni + cs
    y_ref[...] = a[:, 1:2] * ni + cy


_k4 = pl.pallas_call(
    _k4_body,
    out_shape=(
        jax.ShapeDtypeStruct((N, 1), jnp.float32),
        jax.ShapeDtypeStruct((N, 1), jnp.float32),
    ),
)


def kernel(x, edge_index, W_est, b_est, fc_est_W, fc_est_b, W_gnn, b_gnn,
           cls_W, cls_b):
    pad_e = jnp.full((2, EPAD - E), N, jnp.int32)
    e_c = jnp.concatenate([edge_index, pad_e], axis=1).reshape(
        2, NW, NCHUNK, CH)
    eyeW = jnp.eye(W, dtype=jnp.float32)
    onesa = jnp.tile(eyeW[0:1], (CH, 1))
    onesb = jnp.tile(eyeW[1:2], (CH, 1))
    zeros = jnp.zeros((NP, W), jnp.float32)
    x_pad = jnp.pad(x, ((0, NP - N), (0, 0)))

    degp = _k1_degrees(e_c, onesa, onesb, zeros)
    norms, v = _k2(degp, x_pad, W_est, fc_est_W, W_gnn, cls_W)
    aggp = _k3_edges(e_c, v, zeros)
    ni_col = norms[:N, 1:2]
    y, s = _k4(aggp, ni_col, b_est.reshape(1, HE), fc_est_W,
               fc_est_b.reshape(1, 1), b_gnn.reshape(1, H), cls_W,
               cls_b.reshape(1, 1))
    return (y, s)

# --- scband reference (transcript-rebuilt; emitter-appended) ---
"""Pipeline reference for scband-fair-gnn-57114475102492 (READ-ONLY COPY).

The authoritative reference and input builder live on the scoring server;
editing this copy changes nothing except your own understanding.
"""

import jax, jax.numpy as jnp
import numpy as np

N = 10000
E = 320000
D = 128
H = 128   # args.num_hidden (GNN body width)
HE = 64   # args.hidden (estimator GCN width)


def setup_inputs(seed: int = 0) -> dict:
    key = jax.random.key(seed)
    ks = jax.random.split(key, 10)
    x = jax.random.normal(ks[0], (N, D), dtype=jnp.float32)
    edge_index = jax.random.randint(ks[1], (2, E), 0, N, dtype=jnp.int32)
    # estimator GCN: GraphConv(nfeat, HE) + Linear(HE, 1)
    W_est = jax.random.normal(ks[2], (D, HE), dtype=jnp.float32) * (1.0 / np.sqrt(D))
    b_est = jnp.zeros((HE,), dtype=jnp.float32)
    fc_est_W = jax.random.normal(ks[3], (HE, 1), dtype=jnp.float32) * (1.0 / np.sqrt(HE))
    fc_est_b = jnp.zeros((1,), dtype=jnp.float32)
    # GNN body: GraphConv(nfeat, H)
    W_gnn = jax.random.normal(ks[4], (D, H), dtype=jnp.float32) * (1.0 / np.sqrt(D))
    b_gnn = jnp.zeros((H,), dtype=jnp.float32)
    # classifier: Linear(H, 1)
    cls_W = jax.random.normal(ks[5], (H, 1), dtype=jnp.float32) * (1.0 / np.sqrt(H))
    cls_b = jnp.zeros((1,), dtype=jnp.float32)
    return {"x": x, "edge_index": edge_index, "W_est": W_est, "b_est": b_est,
            "fc_est_W": fc_est_W, "fc_est_b": fc_est_b, "W_gnn": W_gnn,
            "b_gnn": b_gnn, "cls_W": cls_W, "cls_b": cls_b}


def _gcn_conv(x, src, dst, W, b):
    # DGL GraphConv with norm='both': D_out^{-1/2} on src, D_in^{-1/2} on dst
    ones = jnp.ones((src.shape[0],), dtype=jnp.float32)
    deg_out = jax.ops.segment_sum(ones, src, num_segments=N)
    deg_in = jax.ops.segment_sum(ones, dst, num_segments=N)
    norm_src = jax.lax.rsqrt(jnp.clip(deg_out, 1.0, None))
    norm_dst = jax.lax.rsqrt(jnp.clip(deg_in, 1.0, None))
    h = x @ W                                  # transform first (D >= H)
    m = h[src] * norm_src[src][:, None]        # gather + src-normalize
    agg = jax.ops.segment_sum(m, dst, num_segments=N)  # scatter-add
    return agg * norm_dst[:, None] + b


def reference(x, edge_index, W_est, b_est, fc_est_W, fc_est_b, W_gnn, b_gnn, cls_W, cls_b):
    src = edge_index[0]
    dst = edge_index[1]
    # estimator: s = Linear(GraphConv(x))
    s_h = _gcn_conv(x, src, dst, W_est, b_est)
    s = s_h @ fc_est_W + fc_est_b
    # GNN body + classifier: y = Linear(GraphConv(x))
    z = _gcn_conv(x, src, dst, W_gnn, b_gnn)
    y = z @ cls_W + cls_b
    return (y, s)

if __name__ == "__main__":
    import jax
    _d = setup_inputs()
    print(jax.jit(kernel)(*tuple(_d.values())))

</pallas_src>

<mosaic_0001>
#map = affine_map<(d0, d1) -> (0, 0, 0, 0)>
#map1 = affine_map<(d0, d1) -> (0, 0)>
#map2 = affine_map<(d0, d1) -> (0, 0, 0)>
module attributes {stable_mosaic.version = 14 : i64} {
  func.func @_k3_edges(%arg0: i32, %arg1: i32, %arg2: memref<2x32x79x128xi32, #tpu.memory_space<hbm>>, %arg3: memref<10240x8xf32, #tpu.memory_space<hbm>>, %arg4: memref<10240x8xf32, #tpu.memory_space<hbm>>, %arg5: memref<2x10240x8xf32, #tpu.memory_space<hbm>>, %arg6: memref<79x128xi32, #tpu.memory_space<vmem>>, %arg7: memref<79x128xi32, #tpu.memory_space<vmem>>, %arg8: memref<79x128x8xf32, #tpu.memory_space<vmem>>, %arg9: memref<10240x8xf32, #tpu.memory_space<vmem_shared>>, %arg10: memref<!tpu.dma_semaphore, #tpu.memory_space<semaphore_mem>>, %arg11: memref<!tpu.dma_semaphore, #tpu.memory_space<semaphore_mem>>) attributes {dimension_semantics = [#tpu.dimension_semantics<core_parallel>, #tpu.dimension_semantics<subcore_parallel>], iteration_bounds = array<i64: 2, 16>, scalar_prefetch = 0 : i64, scratch_operands = 6 : i64, tpu.core_type = #tpu.core_type<sc_vector_subcore>, window_params = [{transform_indices = #map}, {transform_indices = #map1}, {transform_indices = #map1}, {transform_indices = #map2}]} {
    %mul3A = arith.constant 2 : i32
    %mul3A_0 = arith.muli %arg1, %mul3A : i32
    %add3A = arith.addi %mul3A_0, %arg0 : i32
    %run_scoped3A = arith.constant 0 : i32
    "tpu.region"() ({
      %run_scoped3A_33 = tpu.sem_alloc : memref<!tpu.dma_semaphore, #tpu.memory_space<semaphore_mem>>
      %dma_start3A = arith.constant 0 : i32
      %dma_start3A_34 = arith.constant 0 : i32
      %dma_start3A_35 = tpu.memref_slice %arg2[%run_scoped3A, %add3A, %dma_start3A, %dma_start3A_34] : memref<2x32x79x128xi32, #tpu.memory_space<hbm>> -> memref<1x1x79x128xi32, #tpu.memory_space<hbm>>
      %dma_start3A_36 = tpu.memref_squeeze %dma_start3A_35 : memref<1x1x79x128xi32, #tpu.memory_space<hbm>> -> memref<79x128xi32, #tpu.memory_space<hbm>>
      %dma_start3A_37 = arith.constant 0 : i32
      %dma_start3A_38 = arith.constant 0 : i32
      %dma_start3A_39 = tpu.memref_slice %arg2[%run_scoped3A, %add3A, %dma_start3A_37, %dma_start3A_38] : memref<2x32x79x128xi32, #tpu.memory_space<hbm>> -> memref<1x1x79x128xi32, #tpu.memory_space<hbm>>
      %dma_start3A_40 = tpu.memref_squeeze %dma_start3A_39 : memref<1x1x79x128xi32, #tpu.memory_space<hbm>> -> memref<79x128xi32, #tpu.memory_space<hbm>>
      tpu.enqueue_dma source(%dma_start3A_40 : memref<79x128xi32, #tpu.memory_space<hbm>>) target(%arg6 : memref<79x128xi32, #tpu.memory_space<vmem>>) target_semaphore(%run_scoped3A_33 : memref<!tpu.dma_semaphore, #tpu.memory_space<semaphore_mem>>)
      %dma_wait3A = arith.constant 0 : i32
      %dma_wait3A_41 = arith.constant 0 : i32
      %dma_wait3A_42 = tpu.memref_slice %arg2[%run_scoped3A, %add3A, %dma_wait3A, %dma_wait3A_41] : memref<2x32x79x128xi32, #tpu.memory_space<hbm>> -> memref<1x1x79x128xi32, #tpu.memory_space<hbm>>
      %dma_wait3A_43 = tpu.memref_squeeze %dma_wait3A_42 : memref<1x1x79x128xi32, #tpu.memory_space<hbm>> -> memref<79x128xi32, #tpu.memory_space<hbm>>
      %dma_wait3A_44 = arith.constant 0 : i32
      %dma_wait3A_45 = arith.constant 0 : i32
      %dma_wait3A_46 = tpu.memref_slice %arg2[%run_scoped3A, %add3A, %dma_wait3A_44, %dma_wait3A_45] : memref<2x32x79x128xi32, #tpu.memory_space<hbm>> -> memref<1x1x79x128xi32, #tpu.memory_space<hbm>>
      %dma_wait3A_47 = tpu.memref_squeeze %dma_wait3A_46 : memref<1x1x79x128xi32, #tpu.memory_space<hbm>> -> memref<79x128xi32, #tpu.memory_space<hbm>>
      tpu.wait_dma2 semaphore(%run_scoped3A_33 : memref<!tpu.dma_semaphore, #tpu.memory_space<semaphore_mem>>) src(%dma_wait3A_47 : memref<79x128xi32, #tpu.memory_space<hbm>>) dst(%arg6 : memref<79x128xi32, #tpu.memory_space<vmem>>)
      tpu.yield
    }) : () -> ()
    %run_scoped3A_1 = arith.constant 1 : i32
    "tpu.region"() ({
      %run_scoped3A_33 = tpu.sem_alloc : memref<!tpu.dma_semaphore, #tpu.memory_space<semaphore_mem>>
      %dma_start3A = arith.constant 0 : i32
      %dma_start3A_34 = arith.constant 0 : i32
      %dma_start3A_35 = tpu.memref_slice %arg2[%run_scoped3A_1, %add3A, %dma_start3A, %dma_start3A_34] : memref<2x32x79x128xi32, #tpu.memory_space<hbm>> -> memref<1x1x79x128xi32, #tpu.memory_space<hbm>>
      %dma_start3A_36 = tpu.memref_squeeze %dma_start3A_35 : memref<1x1x79x128xi32, #tpu.memory_space<hbm>> -> memref<79x128xi32, #tpu.memory_space<hbm>>
      %dma_start3A_37 = arith.constant 0 : i32
      %dma_start3A_38 = arith.constant 0 : i32
      %dma_start3A_39 = tpu.memref_slice %arg2[%run_scoped3A_1, %add3A, %dma_start3A_37, %dma_start3A_38] : memref<2x32x79x128xi32, #tpu.memory_space<hbm>> -> memref<1x1x79x128xi32, #tpu.memory_space<hbm>>
      %dma_start3A_40 = tpu.memref_squeeze %dma_start3A_39 : memref<1x1x79x128xi32, #tpu.memory_space<hbm>> -> memref<79x128xi32, #tpu.memory_space<hbm>>
      tpu.enqueue_dma source(%dma_start3A_40 : memref<79x128xi32, #tpu.memory_space<hbm>>) target(%arg7 : memref<79x128xi32, #tpu.memory_space<vmem>>) target_semaphore(%run_scoped3A_33 : memref<!tpu.dma_semaphore, #tpu.memory_space<semaphore_mem>>)
      %dma_wait3A = arith.constant 0 : i32
      %dma_wait3A_41 = arith.constant 0 : i32
      %dma_wait3A_42 = tpu.memref_slice %arg2[%run_scoped3A_1, %add3A, %dma_wait3A, %dma_wait3A_41] : memref<2x32x79x128xi32, #tpu.memory_space<hbm>> -> memref<1x1x79x128xi32, #tpu.memory_space<hbm>>
      %dma_wait3A_43 = tpu.memref_squeeze %dma_wait3A_42 : memref<1x1x79x128xi32, #tpu.memory_space<hbm>> -> memref<79x128xi32, #tpu.memory_space<hbm>>
      %dma_wait3A_44 = arith.constant 0 : i32
      %dma_wait3A_45 = arith.constant 0 : i32
      %dma_wait3A_46 = tpu.memref_slice %arg2[%run_scoped3A_1, %add3A, %dma_wait3A_44, %dma_wait3A_45] : memref<2x32x79x128xi32, #tpu.memory_space<hbm>> -> memref<1x1x79x128xi32, #tpu.memory_space<hbm>>
      %dma_wait3A_47 = tpu.memref_squeeze %dma_wait3A_46 : memref<1x1x79x128xi32, #tpu.memory_space<hbm>> -> memref<79x128xi32, #tpu.memory_space<hbm>>
      tpu.wait_dma2 semaphore(%run_scoped3A_33 : memref<!tpu.dma_semaphore, #tpu.memory_space<semaphore_mem>>) src(%dma_wait3A_47 : memref<79x128xi32, #tpu.memory_space<hbm>>) dst(%arg7 : memref<79x128xi32, #tpu.memory_space<vmem>>)
      tpu.yield
    }) : () -> ()
    %eq3A = arith.constant 0 : i32
    %eq3A_2 = arith.cmpi eq, %arg1, %eq3A : i32
    %convert_element_type3A = arith.extui %eq3A_2 : i1 to i32
    %cond3A = arith.constant 0 : i32
    %cond3A_3 = arith.cmpi ne, %convert_element_type3A, %cond3A : i32
    scf.if %cond3A_3 {
      "tpu.region"() ({
        %run_scoped3A_33 = tpu.sem_alloc : memref<!tpu.dma_semaphore, #tpu.memory_space<semaphore_mem>>
        tpu.enqueue_dma source(%arg4 : memref<10240x8xf32, #tpu.memory_space<hbm>>) target(%arg9 : memref<10240x8xf32, #tpu.memory_space<vmem_shared>>) target_semaphore(%run_scoped3A_33 : memref<!tpu.dma_semaphore, #tpu.memory_space<semaphore_mem>>)
        tpu.wait_dma2 semaphore(%run_scoped3A_33 : memref<!tpu.dma_semaphore, #tpu.memory_space<semaphore_mem>>) src(%arg4 : memref<10240x8xf32, #tpu.memory_space<hbm>>) dst(%arg9 : memref<10240x8xf32, #tpu.memory_space<vmem_shared>>)
        tpu.yield
      }) : () -> ()
    } else {
    }
    %scan3A = arith.constant 0 : i32
    %scan3A_4 = arith.constant 0 : i32
    %scan3A_5 = arith.constant 79 : i32
    %scan3A_6 = arith.addi %scan3A_4, %scan3A_5 : i32
    %scan3A_7 = arith.constant 1 : i32
    scf.for %scan3A_33 = %scan3A_4 to %scan3A_6 step %scan3A_7  : i32 {
      %dma_start3A = arith.constant 0 : i32
      %dma_start3A_34 = arith.constant 0 : i32
      %dma_start3A_35 = tpu.memref_slice %arg8[%scan3A_33, %dma_start3A, %dma_start3A_34] : memref<79x128x8xf32, #tpu.memory_space<vmem>> -> memref<1x128x8xf32, #tpu.memory_space<vmem>>
      %dma_start3A_36 = tpu.memref_squeeze %dma_start3A_35 : memref<1x128x8xf32, #tpu.memory_space<vmem>> -> memref<128x8xf32, #tpu.memory_space<vmem>>
      %dma_start3A_37 = arith.constant 0 : i32
      %dma_start3A_38 = tpu.memref_slice %arg6[%scan3A_33, %dma_start3A_37] : memref<79x128xi32, #tpu.memory_space<vmem>> -> memref<1x128xi32, #tpu.memory_space<vmem>>
      %dma_start3A_39 = tpu.memref_squeeze %dma_start3A_38 : memref<1x128xi32, #tpu.memory_space<vmem>> -> memref<128xi32, #tpu.memory_space<vmem>>
      %dma_start3A_40 = arith.constant 0 : i32
      %dma_start3A_41 = arith.constant 0 : i32
      %dma_start3A_42 = tpu.memref_slice %arg3[%dma_start3A_40, %dma_start3A_41] : memref<10240x8xf32, #tpu.memory_space<hbm>> -> memref<10240x8xf32, #tpu.memory_space<hbm>>
      tpu.enqueue_indirect_dma source(%dma_start3A_42 : memref<10240x8xf32, #tpu.memory_space<hbm>>) target(%dma_start3A_36 : memref<128x8xf32, #tpu.memory_space<vmem>>) offsets(%dma_start3A_39 : memref<128xi32, #tpu.memory_space<vmem>>) semaphore(%arg10 : memref<!tpu.dma_semaphore, #tpu.memory_space<semaphore_mem>>)
    }
    %scan3A_8 = arith.constant 79 : i32
    %scan3A_9 = arith.constant 0 : i32
    %scan3A_10 = arith.constant 0 : i32
    %scan3A_11 = arith.constant 79 : i32
    %scan3A_12 = arith.addi %scan3A_10, %scan3A_11 : i32
    %scan3A_13 = arith.constant 1 : i32
    scf.for %scan3A_33 = %scan3A_10 to %scan3A_12 step %scan3A_13  : i32 {
      %dma_wait3A = arith.constant 0 : i32
      %dma_wait3A_34 = arith.constant 0 : i32
      %dma_wait3A_35 = tpu.memref_slice %arg8[%scan3A_33, %dma_wait3A, %dma_wait3A_34] : memref<79x128x8xf32, #tpu.memory_space<vmem>> -> memref<1x128x8xf32, #tpu.memory_space<vmem>>
      %dma_wait3A_36 = tpu.memref_squeeze %dma_wait3A_35 : memref<1x128x8xf32, #tpu.memory_space<vmem>> -> memref<128x8xf32, #tpu.memory_space<vmem>>
      %dma_wait3A_37 = arith.constant 0 : i32
      %dma_wait3A_38 = tpu.memref_slice %arg6[%scan3A_33, %dma_wait3A_37] : memref<79x128xi32, #tpu.memory_space<vmem>> -> memref<1x128xi32, #tpu.memory_space<vmem>>
      %dma_wait3A_39 = tpu.memref_squeeze %dma_wait3A_38 : memref<1x128xi32, #tpu.memory_space<vmem>> -> memref<128xi32, #tpu.memory_space<vmem>>
      %dma_wait3A_40 = arith.constant 0 : i32
      %dma_wait3A_41 = arith.constant 0 : i32
      %dma_wait3A_42 = tpu.memref_slice %arg3[%dma_wait3A_40, %dma_wait3A_41] : memref<10240x8xf32, #tpu.memory_space<hbm>> -> memref<10240x8xf32, #tpu.memory_space<hbm>>
      tpu.wait_indirect_dma semaphore(%arg10 : memref<!tpu.dma_semaphore, #tpu.memory_space<semaphore_mem>>) src(%dma_wait3A_42 : memref<10240x8xf32, #tpu.memory_space<hbm>>) dst(%dma_wait3A_36 : memref<128x8xf32, #tpu.memory_space<vmem>>)
    }
    %scan3A_14 = arith.constant 79 : i32
    %barrier3A = arith.constant 0 : index
    tpu.barrier barrier_id(%barrier3A)
    %scan3A_15 = arith.constant 0 : i32
    %scan3A_16 = arith.constant 0 : i32
    %scan3A_17 = arith.constant 79 : i32
    %scan3A_18 = arith.addi %scan3A_16, %scan3A_17 : i32
    %scan3A_19 = arith.constant 1 : i32
    scf.for %scan3A_33 = %scan3A_16 to %scan3A_18 step %scan3A_19  : i32 {
      %dma_start3A = arith.constant 0 : i32
      %dma_start3A_34 = arith.constant 0 : i32
      %dma_start3A_35 = tpu.memref_slice %arg8[%scan3A_33, %dma_start3A, %dma_start3A_34] : memref<79x128x8xf32, #tpu.memory_space<vmem>> -> memref<1x128x8xf32, #tpu.memory_space<vmem>>
      %dma_start3A_36 = tpu.memref_squeeze %dma_start3A_35 : memref<1x128x8xf32, #tpu.memory_space<vmem>> -> memref<128x8xf32, #tpu.memory_space<vmem>>
      %dma_start3A_37 = arith.constant 0 : i32
      %dma_start3A_38 = tpu.memref_slice %arg7[%scan3A_33, %dma_start3A_37] : memref<79x128xi32, #tpu.memory_space<vmem>> -> memref<1x128xi32, #tpu.memory_space<vmem>>
      %dma_start3A_39 = tpu.memref_squeeze %dma_start3A_38 : memref<1x128xi32, #tpu.memory_space<vmem>> -> memref<128xi32, #tpu.memory_space<vmem>>
      %dma_start3A_40 = arith.constant 0 : i32
      %dma_start3A_41 = arith.constant 0 : i32
      %dma_start3A_42 = tpu.memref_slice %arg9[%dma_start3A_40, %dma_start3A_41] : memref<10240x8xf32, #tpu.memory_space<vmem_shared>> -> memref<10240x8xf32, #tpu.memory_space<vmem_shared>>
      tpu.enqueue_indirect_dma source(%dma_start3A_36 : memref<128x8xf32, #tpu.memory_space<vmem>>) target(%dma_start3A_42 : memref<10240x8xf32, #tpu.memory_space<vmem_shared>>) offsets(%dma_start3A_39 : memref<128xi32, #tpu.memory_space<vmem>>) semaphore(%arg11 : memref<!tpu.dma_semaphore, #tpu.memory_space<semaphore_mem>>) {add = true}
    }
    %scan3A_20 = arith.constant 79 : i32
    %scan3A_21 = arith.constant 0 : i32
    %scan3A_22 = arith.constant 0 : i32
    %scan3A_23 = arith.constant 79 : i32
    %scan3A_24 = arith.addi %scan3A_22, %scan3A_23 : i32
    %scan3A_25 = arith.constant 1 : i32
    scf.for %scan3A_33 = %scan3A_22 to %scan3A_24 step %scan3A_25  : i32 {
      %dma_wait3A = arith.constant 0 : i32
      %dma_wait3A_34 = arith.constant 0 : i32
      %dma_wait3A_35 = tpu.memref_slice %arg8[%scan3A_33, %dma_wait3A, %dma_wait3A_34] : memref<79x128x8xf32, #tpu.memory_space<vmem>> -> memref<1x128x8xf32, #tpu.memory_space<vmem>>
      %dma_wait3A_36 = tpu.memref_squeeze %dma_wait3A_35 : memref<1x128x8xf32, #tpu.memory_space<vmem>> -> memref<128x8xf32, #tpu.memory_space<vmem>>
      %dma_wait3A_37 = arith.constant 0 : i32
      %dma_wait3A_38 = tpu.memref_slice %arg7[%scan3A_33, %dma_wait3A_37] : memref<79x128xi32, #tpu.memory_space<vmem>> -> memref<1x128xi32, #tpu.memory_space<vmem>>
      %dma_wait3A_39 = tpu.memref_squeeze %dma_wait3A_38 : memref<1x128xi32, #tpu.memory_space<vmem>> -> memref<128xi32, #tpu.memory_space<vmem>>
      %dma_wait3A_40 = arith.constant 0 : i32
      %dma_wait3A_41 = arith.constant 0 : i32
      %dma_wait3A_42 = tpu.memref_slice %arg9[%dma_wait3A_40, %dma_wait3A_41] : memref<10240x8xf32, #tpu.memory_space<vmem_shared>> -> memref<10240x8xf32, #tpu.memory_space<vmem_shared>>
      tpu.wait_indirect_dma semaphore(%arg11 : memref<!tpu.dma_semaphore, #tpu.memory_space<semaphore_mem>>) src(%dma_wait3A_36 : memref<128x8xf32, #tpu.memory_space<vmem>>) dst(%dma_wait3A_42 : memref<10240x8xf32, #tpu.memory_space<vmem_shared>>)
    }
    %scan3A_26 = arith.constant 79 : i32
    %barrier3A_27 = arith.constant 0 : index
    tpu.barrier barrier_id(%barrier3A_27)
    %eq3A_28 = arith.constant 0 : i32
    %eq3A_29 = arith.cmpi eq, %arg1, %eq3A_28 : i32
    %convert_element_type3A_30 = arith.extui %eq3A_29 : i1 to i32
    %cond3A_31 = arith.constant 0 : i32
    %cond3A_32 = arith.cmpi ne, %convert_element_type3A_30, %cond3A_31 : i32
    scf.if %cond3A_32 {
      "tpu.region"() ({
        %run_scoped3A_33 = tpu.sem_alloc : memref<!tpu.dma_semaphore, #tpu.memory_space<semaphore_mem>>
        %dma_start3A = arith.constant 0 : i32
        %dma_start3A_34 = arith.constant 0 : i32
        %dma_start3A_35 = tpu.memref_slice %arg5[%arg0, %dma_start3A, %dma_start3A_34] : memref<2x10240x8xf32, #tpu.memory_space<hbm>> -> memref<1x10240x8xf32, #tpu.memory_space<hbm>>
        %dma_start3A_36 = tpu.memref_squeeze %dma_start3A_35 : memref<1x10240x8xf32, #tpu.memory_space<hbm>> -> memref<10240x8xf32, #tpu.memory_space<hbm>>
        tpu.enqueue_dma source(%arg9 : memref<10240x8xf32, #tpu.memory_space<vmem_shared>>) target(%dma_start3A_36 : memref<10240x8xf32, #tpu.memory_space<hbm>>) target_semaphore(%run_scoped3A_33 : memref<!tpu.dma_semaphore, #tpu.memory_space<semaphore_mem>>)
        %dma_wait3A = arith.constant 0 : i32
        %dma_wait3A_37 = arith.constant 0 : i32
        %dma_wait3A_38 = tpu.memref_slice %arg5[%arg0, %dma_wait3A, %dma_wait3A_37] : memref<2x10240x8xf32, #tpu.memory_space<hbm>> -> memref<1x10240x8xf32, #tpu.memory_space<hbm>>
        %dma_wait3A_39 = tpu.memref_squeeze %dma_wait3A_38 : memref<1x10240x8xf32, #tpu.memory_space<hbm>> -> memref<10240x8xf32, #tpu.memory_space<hbm>>
        tpu.wait_dma2 semaphore(%run_scoped3A_33 : memref<!tpu.dma_semaphore, #tpu.memory_space<semaphore_mem>>) src(%arg9 : memref<10240x8xf32, #tpu.memory_space<vmem_shared>>) dst(%dma_wait3A_39 : memref<10240x8xf32, #tpu.memory_space<hbm>>)
        tpu.yield
      }) : () -> ()
    } else {
    }
    return
  }
}

#map = affine_map<(d0, d1) -> (0, 0, 0, 0)>
#map1 = affine_map<(d0, d1) -> (0, 0)>
#map2 = affine_map<(d0, d1) -> (0, 0, 0)>
module attributes {stable_mosaic.version = 14 : i64} {
  func.func @_k1_degrees(%arg0: i32, %arg1: i32, %arg2: memref<2x32x79x128xi32, #tpu.memory_space<hbm>>, %arg3: memref<128x8xf32, #tpu.memory_space<hbm>>, %arg4: memref<128x8xf32, #tpu.memory_space<hbm>>, %arg5: memref<10240x8xf32, #tpu.memory_space<hbm>>, %arg6: memref<2x10240x8xf32, #tpu.memory_space<hbm>>, %arg7: memref<79x128xi32, #tpu.memory_space<vmem>>, %arg8: memref<79x128xi32, #tpu.memory_space<vmem>>, %arg9: memref<128x8xf32, #tpu.memory_space<vmem>>, %arg10: memref<128x8xf32, #tpu.memory_space<vmem>>, %arg11: memref<10240x8xf32, #tpu.memory_space<vmem_shared>>, %arg12: memref<!tpu.dma_semaphore, #tpu.memory_space<semaphore_mem>>) attributes {dimension_semantics = [#tpu.dimension_semantics<core_parallel>, #tpu.dimension_semantics<subcore_parallel>], iteration_bounds = array<i64: 2, 16>, scalar_prefetch = 0 : i64, scratch_operands = 6 : i64, tpu.core_type = #tpu.core_type<sc_vector_subcore>, window_params = [{transform_indices = #map}, {transform_indices = #map1}, {transform_indices = #map1}, {transform_indices = #map1}, {transform_indices = #map2}]} {
    %mul3A = arith.constant 2 : i32
    %mul3A_0 = arith.muli %arg1, %mul3A : i32
    %add3A = arith.addi %mul3A_0, %arg0 : i32
    "tpu.region"() ({
      %run_scoped3A_21 = tpu.sem_alloc : memref<!tpu.dma_semaphore, #tpu.memory_space<semaphore_mem>>
      tpu.enqueue_dma source(%arg3 : memref<128x8xf32, #tpu.memory_space<hbm>>) target(%arg9 : memref<128x8xf32, #tpu.memory_space<vmem>>) target_semaphore(%run_scoped3A_21 : memref<!tpu.dma_semaphore, #tpu.memory_space<semaphore_mem>>)
      tpu.wait_dma2 semaphore(%run_scoped3A_21 : memref<!tpu.dma_semaphore, #tpu.memory_space<semaphore_mem>>) src(%arg3 : memref<128x8xf32, #tpu.memory_space<hbm>>) dst(%arg9 : memref<128x8xf32, #tpu.memory_space<vmem>>)
      tpu.yield
    }) : () -> ()
    "tpu.region"() ({
      %run_scoped3A_21 = tpu.sem_alloc : memref<!tpu.dma_semaphore, #tpu.memory_space<semaphore_mem>>
      tpu.enqueue_dma source(%arg4 : memref<128x8xf32, #tpu.memory_space<hbm>>) target(%arg10 : memref<128x8xf32, #tpu.memory_space<vmem>>) target_semaphore(%run_scoped3A_21 : memref<!tpu.dma_semaphore, #tpu.memory_space<semaphore_mem>>)
      tpu.wait_dma2 semaphore(%run_scoped3A_21 : memref<!tpu.dma_semaphore, #tpu.memory_space<semaphore_mem>>) src(%arg4 : memref<128x8xf32, #tpu.memory_space<hbm>>) dst(%arg10 : memref<128x8xf32, #tpu.memory_space<vmem>>)
      tpu.yield
    }) : () -> ()
    %run_scoped3A = arith.constant 0 : i32
    "tpu.region"() ({
      %run_scoped3A_21 = tpu.sem_alloc : memref<!tpu.dma_semaphore, #tpu.memory_space<semaphore_mem>>
      %dma_start3A = arith.constant 0 : i32
      %dma_start3A_22 = arith.constant 0 : i32
      %dma_start3A_23 = tpu.memref_slice %arg2[%run_scoped3A, %add3A, %dma_start3A, %dma_start3A_22] : memref<2x32x79x128xi32, #tpu.memory_space<hbm>> -> memref<1x1x79x128xi32, #tpu.memory_space<hbm>>
      %dma_start3A_24 = tpu.memref_squeeze %dma_start3A_23 : memref<1x1x79x128xi32, #tpu.memory_space<hbm>> -> memref<79x128xi32, #tpu.memory_space<hbm>>
      %dma_start3A_25 = arith.constant 0 : i32
      %dma_start3A_26 = arith.constant 0 : i32
      %dma_start3A_27 = tpu.memref_slice %arg2[%run_scoped3A, %add3A, %dma_start3A_25, %dma_start3A_26] : memref<2x32x79x128xi32, #tpu.memory_space<hbm>> -> memref<1x1x79x128xi32, #tpu.memory_space<hbm>>
      %dma_start3A_28 = tpu.memref_squeeze %dma_start3A_27 : memref<1x1x79x128xi32, #tpu.memory_space<hbm>> -> memref<79x128xi32, #tpu.memory_space<hbm>>
      tpu.enqueue_dma source(%dma_start3A_28 : memref<79x128xi32, #tpu.memory_space<hbm>>) target(%arg7 : memref<79x128xi32, #tpu.memory_space<vmem>>) target_semaphore(%run_scoped3A_21 : memref<!tpu.dma_semaphore, #tpu.memory_space<semaphore_mem>>)
      %dma_wait3A = arith.constant 0 : i32
      %dma_wait3A_29 = arith.constant 0 : i32
      %dma_wait3A_30 = tpu.memref_slice %arg2[%run_scoped3A, %add3A, %dma_wait3A, %dma_wait3A_29] : memref<2x32x79x128xi32, #tpu.memory_space<hbm>> -> memref<1x1x79x128xi32, #tpu.memory_space<hbm>>
      %dma_wait3A_31 = tpu.memref_squeeze %dma_wait3A_30 : memref<1x1x79x128xi32, #tpu.memory_space<hbm>> -> memref<79x128xi32, #tpu.memory_space<hbm>>
      %dma_wait3A_32 = arith.constant 0 : i32
      %dma_wait3A_33 = arith.constant 0 : i32
      %dma_wait3A_34 = tpu.memref_slice %arg2[%run_scoped3A, %add3A, %dma_wait3A_32, %dma_wait3A_33] : memref<2x32x79x128xi32, #tpu.memory_space<hbm>> -> memref<1x1x79x128xi32, #tpu.memory_space<hbm>>
      %dma_wait3A_35 = tpu.memref_squeeze %dma_wait3A_34 : memref<1x1x79x128xi32, #tpu.memory_space<hbm>> -> memref<79x128xi32, #tpu.memory_space<hbm>>
      tpu.wait_dma2 semaphore(%run_scoped3A_21 : memref<!tpu.dma_semaphore, #tpu.memory_space<semaphore_mem>>) src(%dma_wait3A_35 : memref<79x128xi32, #tpu.memory_space<hbm>>) dst(%arg7 : memref<79x128xi32, #tpu.memory_space<vmem>>)
      tpu.yield
    }) : () -> ()
    %run_scoped3A_1 = arith.constant 1 : i32
    "tpu.region"() ({
      %run_scoped3A_21 = tpu.sem_alloc : memref<!tpu.dma_semaphore, #tpu.memory_space<semaphore_mem>>
      %dma_start3A = arith.constant 0 : i32
      %dma_start3A_22 = arith.constant 0 : i32
      %dma_start3A_23 = tpu.memref_slice %arg2[%run_scoped3A_1, %add3A, %dma_start3A, %dma_start3A_22] : memref<2x32x79x128xi32, #tpu.memory_space<hbm>> -> memref<1x1x79x128xi32, #tpu.memory_space<hbm>>
      %dma_start3A_24 = tpu.memref_squeeze %dma_start3A_23 : memref<1x1x79x128xi32, #tpu.memory_space<hbm>> -> memref<79x128xi32, #tpu.memory_space<hbm>>
      %dma_start3A_25 = arith.constant 0 : i32
      %dma_start3A_26 = arith.constant 0 : i32
      %dma_start3A_27 = tpu.memref_slice %arg2[%run_scoped3A_1, %add3A, %dma_start3A_25, %dma_start3A_26] : memref<2x32x79x128xi32, #tpu.memory_space<hbm>> -> memref<1x1x79x128xi32, #tpu.memory_space<hbm>>
      %dma_start3A_28 = tpu.memref_squeeze %dma_start3A_27 : memref<1x1x79x128xi32, #tpu.memory_space<hbm>> -> memref<79x128xi32, #tpu.memory_space<hbm>>
      tpu.enqueue_dma source(%dma_start3A_28 : memref<79x128xi32, #tpu.memory_space<hbm>>) target(%arg8 : memref<79x128xi32, #tpu.memory_space<vmem>>) target_semaphore(%run_scoped3A_21 : memref<!tpu.dma_semaphore, #tpu.memory_space<semaphore_mem>>)
      %dma_wait3A = arith.constant 0 : i32
      %dma_wait3A_29 = arith.constant 0 : i32
      %dma_wait3A_30 = tpu.memref_slice %arg2[%run_scoped3A_1, %add3A, %dma_wait3A, %dma_wait3A_29] : memref<2x32x79x128xi32, #tpu.memory_space<hbm>> -> memref<1x1x79x128xi32, #tpu.memory_space<hbm>>
      %dma_wait3A_31 = tpu.memref_squeeze %dma_wait3A_30 : memref<1x1x79x128xi32, #tpu.memory_space<hbm>> -> memref<79x128xi32, #tpu.memory_space<hbm>>
      %dma_wait3A_32 = arith.constant 0 : i32
      %dma_wait3A_33 = arith.constant 0 : i32
      %dma_wait3A_34 = tpu.memref_slice %arg2[%run_scoped3A_1, %add3A, %dma_wait3A_32, %dma_wait3A_33] : memref<2x32x79x128xi32, #tpu.memory_space<hbm>> -> memref<1x1x79x128xi32, #tpu.memory_space<hbm>>
      %dma_wait3A_35 = tpu.memref_squeeze %dma_wait3A_34 : memref<1x1x79x128xi32, #tpu.memory_space<hbm>> -> memref<79x128xi32, #tpu.memory_space<hbm>>
      tpu.wait_dma2 semaphore(%run_scoped3A_21 : memref<!tpu.dma_semaphore, #tpu.memory_space<semaphore_mem>>) src(%dma_wait3A_35 : memref<79x128xi32, #tpu.memory_space<hbm>>) dst(%arg8 : memref<79x128xi32, #tpu.memory_space<vmem>>)
      tpu.yield
    }) : () -> ()
    %eq3A = arith.constant 0 : i32
    %eq3A_2 = arith.cmpi eq, %arg1, %eq3A : i32
    %convert_element_type3A = arith.extui %eq3A_2 : i1 to i32
    %cond3A = arith.constant 0 : i32
    %cond3A_3 = arith.cmpi ne, %convert_element_type3A, %cond3A : i32
    scf.if %cond3A_3 {
      "tpu.region"() ({
        %run_scoped3A_21 = tpu.sem_alloc : memref<!tpu.dma_semaphore, #tpu.memory_space<semaphore_mem>>
        tpu.enqueue_dma source(%arg5 : memref<10240x8xf32, #tpu.memory_space<hbm>>) target(%arg11 : memref<10240x8xf32, #tpu.memory_space<vmem_shared>>) target_semaphore(%run_scoped3A_21 : memref<!tpu.dma_semaphore, #tpu.memory_space<semaphore_mem>>)
        tpu.wait_dma2 semaphore(%run_scoped3A_21 : memref<!tpu.dma_semaphore, #tpu.memory_space<semaphore_mem>>) src(%arg5 : memref<10240x8xf32, #tpu.memory_space<hbm>>) dst(%arg11 : memref<10240x8xf32, #tpu.memory_space<vmem_shared>>)
        tpu.yield
      }) : () -> ()
    } else {
    }
    %barrier3A = arith.constant 0 : index
    tpu.barrier barrier_id(%barrier3A)
    %scan3A = arith.constant 0 : i32
    %scan3A_4 = arith.constant 0 : i32
    %scan3A_5 = arith.constant 79 : i32
    %scan3A_6 = arith.addi %scan3A_4, %scan3A_5 : i32
    %scan3A_7 = arith.constant 1 : i32
    scf.for %scan3A_21 = %scan3A_4 to %scan3A_6 step %scan3A_7  : i32 {
      %dma_start3A = arith.constant 0 : i32
      %dma_start3A_22 = tpu.memref_slice %arg7[%scan3A_21, %dma_start3A] : memref<79x128xi32, #tpu.memory_space<vmem>> -> memref<1x128xi32, #tpu.memory_space<vmem>>
      %dma_start3A_23 = tpu.memref_squeeze %dma_start3A_22 : memref<1x128xi32, #tpu.memory_space<vmem>> -> memref<128xi32, #tpu.memory_space<vmem>>
      %dma_start3A_24 = arith.constant 0 : i32
      %dma_start3A_25 = arith.constant 0 : i32
      %dma_start3A_26 = tpu.memref_slice %arg11[%dma_start3A_24, %dma_start3A_25] : memref<10240x8xf32, #tpu.memory_space<vmem_shared>> -> memref<10240x8xf32, #tpu.memory_space<vmem_shared>>
      tpu.enqueue_indirect_dma source(%arg9 : memref<128x8xf32, #tpu.memory_space<vmem>>) target(%dma_start3A_26 : memref<10240x8xf32, #tpu.memory_space<vmem_shared>>) offsets(%dma_start3A_23 : memref<128xi32, #tpu.memory_space<vmem>>) semaphore(%arg12 : memref<!tpu.dma_semaphore, #tpu.memory_space<semaphore_mem>>) {add = true}
      %dma_start3A_27 = arith.constant 0 : i32
      %dma_start3A_28 = tpu.memref_slice %arg8[%scan3A_21, %dma_start3A_27] : memref<79x128xi32, #tpu.memory_space<vmem>> -> memref<1x128xi32, #tpu.memory_space<vmem>>
      %dma_start3A_29 = tpu.memref_squeeze %dma_start3A_28 : memref<1x128xi32, #tpu.memory_space<vmem>> -> memref<128xi32, #tpu.memory_space<vmem>>
      %dma_start3A_30 = arith.constant 0 : i32
      %dma_start3A_31 = arith.constant 0 : i32
      %dma_start3A_32 = tpu.memref_slice %arg11[%dma_start3A_30, %dma_start3A_31] : memref<10240x8xf32, #tpu.memory_space<vmem_shared>> -> memref<10240x8xf32, #tpu.memory_space<vmem_shared>>
      tpu.enqueue_indirect_dma source(%arg10 : memref<128x8xf32, #tpu.memory_space<vmem>>) target(%dma_start3A_32 : memref<10240x8xf32, #tpu.memory_space<vmem_shared>>) offsets(%dma_start3A_29 : memref<128xi32, #tpu.memory_space<vmem>>) semaphore(%arg12 : memref<!tpu.dma_semaphore, #tpu.memory_space<semaphore_mem>>) {add = true}
    }
    %scan3A_8 = arith.constant 79 : i32
    %scan3A_9 = arith.constant 0 : i32
    %scan3A_10 = arith.constant 0 : i32
    %scan3A_11 = arith.constant 79 : i32
    %scan3A_12 = arith.addi %scan3A_10, %scan3A_11 : i32
    %scan3A_13 = arith.constant 1 : i32
    scf.for %scan3A_21 = %scan3A_10 to %scan3A_12 step %scan3A_13  : i32 {
      %dma_wait3A = arith.constant 0 : i32
      %dma_wait3A_22 = tpu.memref_slice %arg7[%scan3A_21, %dma_wait3A] : memref<79x128xi32, #tpu.memory_space<vmem>> -> memref<1x128xi32, #tpu.memory_space<vmem>>
      %dma_wait3A_23 = tpu.memref_squeeze %dma_wait3A_22 : memref<1x128xi32, #tpu.memory_space<vmem>> -> memref<128xi32, #tpu.memory_space<vmem>>
      %dma_wait3A_24 = arith.constant 0 : i32
      %dma_wait3A_25 = arith.constant 0 : i32
      %dma_wait3A_26 = tpu.memref_slice %arg11[%dma_wait3A_24, %dma_wait3A_25] : memref<10240x8xf32, #tpu.memory_space<vmem_shared>> -> memref<10240x8xf32, #tpu.memory_space<vmem_shared>>
      tpu.wait_indirect_dma semaphore(%arg12 : memref<!tpu.dma_semaphore, #tpu.memory_space<semaphore_mem>>) src(%arg9 : memref<128x8xf32, #tpu.memory_space<vmem>>) dst(%dma_wait3A_26 : memref<10240x8xf32, #tpu.memory_space<vmem_shared>>)
      %dma_wait3A_27 = arith.constant 0 : i32
      %dma_wait3A_28 = tpu.memref_slice %arg8[%scan3A_21, %dma_wait3A_27] : memref<79x128xi32, #tpu.memory_space<vmem>> -> memref<1x128xi32, #tpu.memory_space<vmem>>
      %dma_wait3A_29 = tpu.memref_squeeze %dma_wait3A_28 : memref<1x128xi32, #tpu.memory_space<vmem>> -> memref<128xi32, #tpu.memory_space<vmem>>
      %dma_wait3A_30 = arith.constant 0 : i32
      %dma_wait3A_31 = arith.constant 0 : i32
      %dma_wait3A_32 = tpu.memref_slice %arg11[%dma_wait3A_30, %dma_wait3A_31] : memref<10240x8xf32, #tpu.memory_space<vmem_shared>> -> memref<10240x8xf32, #tpu.memory_space<vmem_shared>>
      tpu.wait_indirect_dma semaphore(%arg12 : memref<!tpu.dma_semaphore, #tpu.memory_space<semaphore_mem>>) src(%arg10 : memref<128x8xf32, #tpu.memory_space<vmem>>) dst(%dma_wait3A_32 : memref<10240x8xf32, #tpu.memory_space<vmem_shared>>)
    }
    %scan3A_14 = arith.constant 79 : i32
    %barrier3A_15 = arith.constant 0 : index
    tpu.barrier barrier_id(%barrier3A_15)
    %eq3A_16 = arith.constant 0 : i32
    %eq3A_17 = arith.cmpi eq, %arg1, %eq3A_16 : i32
    %convert_element_type3A_18 = arith.extui %eq3A_17 : i1 to i32
    %cond3A_19 = arith.constant 0 : i32
    %cond3A_20 = arith.cmpi ne, %convert_element_type3A_18, %cond3A_19 : i32
    scf.if %cond3A_20 {
      "tpu.region"() ({
        %run_scoped3A_21 = tpu.sem_alloc : memref<!tpu.dma_semaphore, #tpu.memory_space<semaphore_mem>>
        %dma_start3A = arith.constant 0 : i32
        %dma_start3A_22 = arith.constant 0 : i32
        %dma_start3A_23 = tpu.memref_slice %arg6[%arg0, %dma_start3A, %dma_start3A_22] : memref<2x10240x8xf32, #tpu.memory_space<hbm>> -> memref<1x10240x8xf32, #tpu.memory_space<hbm>>
        %dma_start3A_24 = tpu.memref_squeeze %dma_start3A_23 : memref<1x10240x8xf32, #tpu.memory_space<hbm>> -> memref<10240x8xf32, #tpu.memory_space<hbm>>
        tpu.enqueue_dma source(%arg11 : memref<10240x8xf32, #tpu.memory_space<vmem_shared>>) target(%dma_start3A_24 : memref<10240x8xf32, #tpu.memory_space<hbm>>) target_semaphore(%run_scoped3A_21 : memref<!tpu.dma_semaphore, #tpu.memory_space<semaphore_mem>>)
        %dma_wait3A = arith.constant 0 : i32
        %dma_wait3A_25 = arith.constant 0 : i32
        %dma_wait3A_26 = tpu.memref_slice %arg6[%arg0, %dma_wait3A, %dma_wait3A_25] : memref<2x10240x8xf32, #tpu.memory_space<hbm>> -> memref<1x10240x8xf32, #tpu.memory_space<hbm>>
        %dma_wait3A_27 = tpu.memref_squeeze %dma_wait3A_26 : memref<1x10240x8xf32, #tpu.memory_space<hbm>> -> memref<10240x8xf32, #tpu.memory_space<hbm>>
        tpu.wait_dma2 semaphore(%run_scoped3A_21 : memref<!tpu.dma_semaphore, #tpu.memory_space<semaphore_mem>>) src(%arg11 : memref<10240x8xf32, #tpu.memory_space<vmem_shared>>) dst(%dma_wait3A_27 : memref<10240x8xf32, #tpu.memory_space<hbm>>)
        tpu.yield
      }) : () -> ()
    } else {
    }
    return
  }
}

module attributes {stable_mosaic.version = 14 : i64} {
  func.func @_k2_body(%arg0: memref<2x10240x8xf32, #tpu.memory_space<vmem>>, %arg1: memref<10240x128xf32, #tpu.memory_space<vmem>>, %arg2: memref<128x64xf32, #tpu.memory_space<vmem>>, %arg3: memref<64x1xf32, #tpu.memory_space<vmem>>, %arg4: memref<128x128xf32, #tpu.memory_space<vmem>>, %arg5: memref<128x1xf32, #tpu.memory_space<vmem>>, %arg6: memref<10240x2xf32, #tpu.memory_space<vmem>>, %arg7: memref<10240x8xf32, #tpu.memory_space<vmem>>) attributes {dimension_semantics = [], scalar_prefetch = 0 : i64, scratch_operands = 0 : i64, tpu.core_type = #tpu.core_type<tc>} {
    %get3A = arith.constant 0 : index
    %get3A_0 = arith.constant 0 : index
    %get3A_1 = arith.constant 0 : index
    %get3A_2 = vector.load %arg0[%get3A, %get3A_0, %get3A_1] : memref<2x10240x8xf32, #tpu.memory_space<vmem>>, vector<1x10240x8xf32>
    %get3A_3 = vector.shape_cast %get3A_2 : vector<1x10240x8xf32> to vector<10240x8xf32>
    %get3A_4 = arith.constant 1 : index
    %get3A_5 = arith.constant 0 : index
    %get3A_6 = arith.constant 0 : index
    %get3A_7 = vector.load %arg0[%get3A_4, %get3A_5, %get3A_6] : memref<2x10240x8xf32, #tpu.memory_space<vmem>>, vector<1x10240x8xf32>
    %get3A_8 = vector.shape_cast %get3A_7 : vector<1x10240x8xf32> to vector<10240x8xf32>
    %add3A = arith.addf %get3A_3, %get3A_8 : vector<10240x8xf32>
    %slice3A = vector.extract_strided_slice %add3A {offsets = [0, 0], sizes = [10240, 2], strides = [1, 1]} : vector<10240x8xf32> to vector<10240x2xf32>
    %max3A = arith.constant 1.000000e+00 : f32
    %max3A_9 = vector.broadcast %max3A : f32 to vector<10240x2xf32>
    %max3A_10 = arith.maximumf %slice3A, %max3A_9 : vector<10240x2xf32>
    %rsqrt3A = math.rsqrt %max3A_10 : vector<10240x2xf32>
    %swap3A = arith.constant 0 : index
    %swap3A_11 = arith.constant 0 : index
    %swap3A_12 = vector.load %arg6[%swap3A, %swap3A_11] : memref<10240x2xf32, #tpu.memory_space<vmem>>, vector<10240x2xf32>
    tpu.vector_store %arg6[%swap3A, %swap3A_11], %rsqrt3A {strides = array<i32>} : memref<10240x2xf32, #tpu.memory_space<vmem>>, vector<10240x2xf32>,
    %get3A_13 = arith.constant 0 : index
    %get3A_14 = arith.constant 0 : index
    %get3A_15 = vector.load %arg2[%get3A_13, %get3A_14] : memref<128x64xf32, #tpu.memory_space<vmem>>, vector<128x64xf32>
    %get3A_16 = arith.constant 0 : index
    %get3A_17 = arith.constant 0 : index
    %get3A_18 = vector.load %arg3[%get3A_16, %get3A_17] : memref<64x1xf32, #tpu.memory_space<vmem>>, vector<64x1xf32>
    %dot_general3A = arith.constant dense<0.000000e+00> : vector<128x1xf32>
    %dot_general3A_19 = tpu.matmul %get3A_15, %get3A_18, %dot_general3A {dimension_numbers = #tpu.dot_dimension_numbers<[1], [0], [0], [1], [0, 0, 1, 1], [], []>, transpose_lhs_hint = false} : vector<128x64xf32>, vector<64x1xf32>, vector<128x1xf32> -> vector<128x1xf32>
    %get3A_20 = arith.constant 0 : index
    %get3A_21 = arith.constant 0 : index
    %get3A_22 = vector.load %arg4[%get3A_20, %get3A_21] : memref<128x128xf32, #tpu.memory_space<vmem>>, vector<128x128xf32>
    %get3A_23 = arith.constant 0 : index
    %get3A_24 = arith.constant 0 : index
    %get3A_25 = vector.load %arg5[%get3A_23, %get3A_24] : memref<128x1xf32, #tpu.memory_space<vmem>>, vector<128x1xf32>
    %dot_general3A_26 = arith.constant dense<0.000000e+00> : vector<128x1xf32>
    %dot_general3A_27 = tpu.matmul %get3A_22, %get3A_25, %dot_general3A_26 {dimension_numbers = #tpu.dot_dimension_numbers<[1], [0], [0], [1], [0, 0, 1, 1], [], []>, transpose_lhs_hint = false} : vector<128x128xf32>, vector<128x1xf32>, vector<128x1xf32> -> vector<128x1xf32>
    %concatenate3A = tpu.concatenate %dot_general3A_19, %dot_general3A_27 in 1 : vector<128x1xf32>, vector<128x1xf32> -> vector<128x2xf32>
    %get3A_28 = arith.constant 0 : index
    %get3A_29 = arith.constant 0 : index
    %get3A_30 = vector.load %arg1[%get3A_28, %get3A_29] : memref<10240x128xf32, #tpu.memory_space<vmem>>, vector<10240x128xf32>
    %dot_general3A_31 = arith.constant dense<0.000000e+00> : vector<10240x2xf32>
    %dot_general3A_32 = tpu.matmul %get3A_30, %concatenate3A, %dot_general3A_31 {dimension_numbers = #tpu.dot_dimension_numbers<[1], [0], [0], [1], [0, 0, 1, 1], [], []>, transpose_lhs_hint = false} : vector<10240x128xf32>, vector<128x2xf32>, vector<10240x2xf32> -> vector<10240x2xf32>
    %slice3A_33 = vector.extract_strided_slice %rsqrt3A {offsets = [0, 0], sizes = [10240, 1], strides = [1, 1]} : vector<10240x2xf32> to vector<10240x1xf32>
    %mul3A = vector.broadcast %slice3A_33 : vector<10240x1xf32> to vector<10240x2xf32>
    %mul3A_34 = arith.mulf %dot_general3A_32, %mul3A : vector<10240x2xf32>
    %broadcast_in_dim3A = arith.constant 0.000000e+00 : f32
    %broadcast_in_dim3A_35 = vector.broadcast %broadcast_in_dim3A : f32 to vector<10240x6xf32>
    %concatenate3A_36 = tpu.concatenate %mul3A_34, %broadcast_in_dim3A_35 in 1 : vector<10240x2xf32>, vector<10240x6xf32> -> vector<10240x8xf32>
    %swap3A_37 = arith.constant 0 : index
    %swap3A_38 = arith.constant 0 : index
    %swap3A_39 = vector.load %arg7[%swap3A_37, %swap3A_38] : memref<10240x8xf32, #tpu.memory_space<vmem>>, vector<10240x8xf32>
    tpu.vector_store %arg7[%swap3A_37, %swap3A_38], %concatenate3A_36 {strides = array<i32>} : memref<10240x8xf32, #tpu.memory_space<vmem>>, vector<10240x8xf32>,
    return
  }
}

module attributes {stable_mosaic.version = 14 : i64} {
  func.func @_k4_body(%arg0: memref<2x10240x8xf32, #tpu.memory_space<vmem>>, %arg1: memref<10000x1xf32, #tpu.memory_space<vmem>>, %arg2: memref<1x64xf32, #tpu.memory_space<vmem>>, %arg3: memref<64x1xf32, #tpu.memory_space<vmem>>, %arg4: memref<1x1xf32, #tpu.memory_space<vmem>>, %arg5: memref<1x128xf32, #tpu.memory_space<vmem>>, %arg6: memref<128x1xf32, #tpu.memory_space<vmem>>, %arg7: memref<1x1xf32, #tpu.memory_space<vmem>>, %arg8: memref<10000x1xf32, #tpu.memory_space<vmem>>, %arg9: memref<10000x1xf32, #tpu.memory_space<vmem>>) attributes {dimension_semantics = [], scalar_prefetch = 0 : i64, scratch_operands = 0 : i64, tpu.core_type = #tpu.core_type<tc>} {
    %get3A = arith.constant 0 : index
    %get3A_0 = arith.constant 0 : index
    %get3A_1 = arith.constant 0 : index
    %get3A_2 = vector.load %arg0[%get3A, %get3A_0, %get3A_1] : memref<2x10240x8xf32, #tpu.memory_space<vmem>>, vector<1x10240x8xf32>
    %get3A_3 = vector.shape_cast %get3A_2 : vector<1x10240x8xf32> to vector<10240x8xf32>
    %get3A_4 = arith.constant 1 : index
    %get3A_5 = arith.constant 0 : index
    %get3A_6 = arith.constant 0 : index
    %get3A_7 = vector.load %arg0[%get3A_4, %get3A_5, %get3A_6] : memref<2x10240x8xf32, #tpu.memory_space<vmem>>, vector<1x10240x8xf32>
    %get3A_8 = vector.shape_cast %get3A_7 : vector<1x10240x8xf32> to vector<10240x8xf32>
    %add3A = arith.addf %get3A_3, %get3A_8 : vector<10240x8xf32>
    %slice3A = vector.extract_strided_slice %add3A {offsets = [0, 0], sizes = [10000, 8], strides = [1, 1]} : vector<10240x8xf32> to vector<10000x8xf32>
    %get3A_9 = arith.constant 0 : index
    %get3A_10 = arith.constant 0 : index
    %get3A_11 = vector.load %arg1[%get3A_9, %get3A_10] : memref<10000x1xf32, #tpu.memory_space<vmem>>, vector<10000x1xf32>
    %get3A_12 = arith.constant 0 : index
    %get3A_13 = arith.constant 0 : index
    %get3A_14 = vector.load %arg2[%get3A_12, %get3A_13] : memref<1x64xf32, #tpu.memory_space<vmem>>, vector<1x64xf32>
    %get3A_15 = arith.constant 0 : index
    %get3A_16 = arith.constant 0 : index
    %get3A_17 = vector.load %arg3[%get3A_15, %get3A_16] : memref<64x1xf32, #tpu.memory_space<vmem>>, vector<64x1xf32>
    %dot_general3A = arith.constant dense<0.000000e+00> : vector<1x1xf32>
    %dot_general3A_18 = tpu.matmul %get3A_14, %get3A_17, %dot_general3A {dimension_numbers = #tpu.dot_dimension_numbers<[1], [0], [0], [1], [0, 0, 1, 1], [], []>, transpose_lhs_hint = false} : vector<1x64xf32>, vector<64x1xf32>, vector<1x1xf32> -> vector<1x1xf32>
    %reduce_sum3A = vector.shape_cast %dot_general3A_18 : vector<1x1xf32> to vector<1x1x1xf32>
    %reduce_sum3A_19 = arith.constant dense<0.000000e+00> : vector<1xf32>
    %reduce_sum3A_20 = vector.multi_reduction <add>, %reduce_sum3A, %reduce_sum3A_19 [1, 2] : vector<1x1x1xf32> to vector<1xf32>
    %reduce_sum3A_21 = vector.shape_cast %reduce_sum3A_20 : vector<1xf32> to vector<1x1x1xf32>
    %reduce_sum3A_22 = vector.extract %reduce_sum3A_21[0, 0, 0] : f32 from vector<1x1x1xf32>
    %get3A_23 = arith.constant 0 : index
    %get3A_24 = arith.constant 0 : index
    %get3A_25 = vector.load %arg4[%get3A_23, %get3A_24] : memref<1x1xf32, #tpu.memory_space<vmem>>, vector<1x1xf32>
    %reduce_sum3A_26 = vector.shape_cast %get3A_25 : vector<1x1xf32> to vector<1x1x1xf32>
    %reduce_sum3A_27 = arith.constant dense<0.000000e+00> : vector<1xf32>
    %reduce_sum3A_28 = vector.multi_reduction <add>, %reduce_sum3A_26, %reduce_sum3A_27 [1, 2] : vector<1x1x1xf32> to vector<1xf32>
    %reduce_sum3A_29 = vector.shape_cast %reduce_sum3A_28 : vector<1xf32> to vector<1x1x1xf32>
    %reduce_sum3A_30 = vector.extract %reduce_sum3A_29[0, 0, 0] : f32 from vector<1x1x1xf32>
    %add3A_31 = arith.addf %reduce_sum3A_22, %reduce_sum3A_30 : f32
    %get3A_32 = arith.constant 0 : index
    %get3A_33 = arith.constant 0 : index
    %get3A_34 = vector.load %arg5[%get3A_32, %get3A_33] : memref<1x128xf32, #tpu.memory_space<vmem>>, vector<1x128xf32>
    %get3A_35 = arith.constant 0 : index
    %get3A_36 = arith.constant 0 : index
    %get3A_37 = vector.load %arg6[%get3A_35, %get3A_36] : memref<128x1xf32, #tpu.memory_space<vmem>>, vector<128x1xf32>
    %dot_general3A_38 = arith.constant dense<0.000000e+00> : vector<1x1xf32>
    %dot_general3A_39 = tpu.matmul %get3A_34, %get3A_37, %dot_general3A_38 {dimension_numbers = #tpu.dot_dimension_numbers<[1], [0], [0], [1], [0, 0, 1, 1], [], []>, transpose_lhs_hint = false} : vector<1x128xf32>, vector<128x1xf32>, vector<1x1xf32> -> vector<1x1xf32>
    %reduce_sum3A_40 = vector.shape_cast %dot_general3A_39 : vector<1x1xf32> to vector<1x1x1xf32>
    %reduce_sum3A_41 = arith.constant dense<0.000000e+00> : vector<1xf32>
    %reduce_sum3A_42 = vector.multi_reduction <add>, %reduce_sum3A_40, %reduce_sum3A_41 [1, 2] : vector<1x1x1xf32> to vector<1xf32>
    %reduce_sum3A_43 = vector.shape_cast %reduce_sum3A_42 : vector<1xf32> to vector<1x1x1xf32>
    %reduce_sum3A_44 = vector.extract %reduce_sum3A_43[0, 0, 0] : f32 from vector<1x1x1xf32>
    %get3A_45 = arith.constant 0 : index
    %get3A_46 = arith.constant 0 : index
    %get3A_47 = vector.load %arg7[%get3A_45, %get3A_46] : memref<1x1xf32, #tpu.memory_space<vmem>>, vector<1x1xf32>
    %reduce_sum3A_48 = vector.shape_cast %get3A_47 : vector<1x1xf32> to vector<1x1x1xf32>
    %reduce_sum3A_49 = arith.constant dense<0.000000e+00> : vector<1xf32>
    %reduce_sum3A_50 = vector.multi_reduction <add>, %reduce_sum3A_48, %reduce_sum3A_49 [1, 2] : vector<1x1x1xf32> to vector<1xf32>
    %reduce_sum3A_51 = vector.shape_cast %reduce_sum3A_50 : vector<1xf32> to vector<1x1x1xf32>
    %reduce_sum3A_52 = vector.extract %reduce_sum3A_51[0, 0, 0] : f32 from vector<1x1x1xf32>
    %add3A_53 = arith.addf %reduce_sum3A_44, %reduce_sum3A_52 : f32
    %slice3A_54 = vector.extract_strided_slice %slice3A {offsets = [0, 0], sizes = [10000, 1], strides = [1, 1]} : vector<10000x8xf32> to vector<10000x1xf32>
    %mul3A = arith.mulf %slice3A_54, %get3A_11 : vector<10000x1xf32>
    %add3A_55 = vector.broadcast %add3A_31 : f32 to vector<10000x1xf32>
    %add3A_56 = arith.addf %mul3A, %add3A_55 : vector<10000x1xf32>
    %swap3A = arith.constant 0 : index
    %swap3A_57 = arith.constant 0 : index
    %swap3A_58 = vector.load %arg9[%swap3A, %swap3A_57] : memref<10000x1xf32, #tpu.memory_space<vmem>>, vector<10000x1xf32>
    tpu.vector_store %arg9[%swap3A, %swap3A_57], %add3A_56 {strides = array<i32>} : memref<10000x1xf32, #tpu.memory_space<vmem>>, vector<10000x1xf32>,
    %slice3A_59 = vector.extract_strided_slice %slice3A {offsets = [0, 1], sizes = [10000, 1], strides = [1, 1]} : vector<10000x8xf32> to vector<10000x1xf32>
    %mul3A_60 = arith.mulf %slice3A_59, %get3A_11 : vector<10000x1xf32>
    %add3A_61 = vector.broadcast %add3A_53 : f32 to vector<10000x1xf32>
    %add3A_62 = arith.addf %mul3A_60, %add3A_61 : vector<10000x1xf32>
    %swap3A_63 = arith.constant 0 : index
    %swap3A_64 = arith.constant 0 : index
    %swap3A_65 = vector.load %arg8[%swap3A_63, %swap3A_64] : memref<10000x1xf32, #tpu.memory_space<vmem>>, vector<10000x1xf32>
    tpu.vector_store %arg8[%swap3A_63, %swap3A_64], %add3A_62 {strides = array<i32>} : memref<10000x1xf32, #tpu.memory_space<vmem>>, vector<10000x1xf32>,
    return
  }
}

</mosaic_0001>

<sc_bundles>
// kernel: kernel.6.cloned.1.call-start
scs
__scs_entry_jumppad:
0x0: {  	(pc) =	sbr.rel $0x88, $3  }
0x1: {  	(tag) =	ssettag $0x0;
	lr =	simm.s32 $0x1  }
0x2: {  	[smem:$0x3F97] =	sst lr;
	_ =	strace $0xD0000000  }
0x3: {  	_ = 	snop  }
0x4: {  	_ = 	snop  }
0x5: {  	_ = 	snop  }
0x6: {  	_ = 	snop  }
0x7: {  	_ = 	snop  }
__scs_overlays_trampoline_lowered:
0x8: {  	[smem:$0x3FA6] =	sst s0  }
0x9: {  	[smem:$0x3FA7] =	sst s1  }
0xa: {  	[smem:$0x3FA8] =	sst s2  }
0xb: {  	[smem:$0x3FA9] =	sst s3  }
0xc: {  	[smem:$0x3FAA] =	sst s4  }
0xd: {  	[smem:$0x3FAB] =	sst s5  }
0xe: {  	[smem:$0x3FAC] =	sst s6  }
0xf: {  	[smem:$0x3FAD] =	sst s7  }
0x10: {  	[smem:$0x3FAE] =	sst s8  }
0x11: {  	[smem:$0x3FAF] =	sst s9;
	s0 =	simm.s32 @!p0 $0x0  }
0x12: {  	s1 =	sld [smem:$0x3F95];
	s0 =	simm.s32 @p0 $0x1  }
0x13: {  	[smem:$0x3FB0] =	sst s0;
	s0 =	simm.s32 @!p1 $0x0  }
0x14: {  	s2 =	sld [smem:$0x3F94];
	s0 =	simm.s32 @p1 $0x1  }
0x15: {  	[smem:$0x3FB1] =	sst s0;
	s0 =	simm.s32 @!p2 $0x0  }
0x16: {  	s3 =	sld [smem:$0x3FDB];
	s0 =	simm.s32 @p2 $0x1  }
0x17: {  	s4 =	simm.s32 $0x1BF5;
	[smem:$0x3FB3] =	sst s0  }
0x18: {  	s0 =	sld [smem:$0x3F96];
	_ =	swait.ge [sflag:s4], $0x0  }
0x19: {  	s7 =	sld [smem:$0x3F97]  }
0x1a: {  	s8 =	sadd.s32 $0xFFFFE003, lr  }
0x1b: {  	s9 =	sadd.s32 $0xFFFFFEF7, lr;
	s5 =	simm.s32 $0xFFFFFFFF;
	p2 =	slt.u32 s8, $0xFFFFF086  }
0x1c: {  	p1 =	slt.u32 s9, $0xF7A;
	s5 =	simm.s32 @!p2 $0x0  }
0x1d: {  	s5 =	simm.s32 @p1 $0x1;
	p0 =	seq.s32 s7, s2  }
0x1e: {  	s7 =	smul.u32 @!p0 $0xF7A, s2;
	p2 =	seq.s32 @!p0 s5, $0x0  }
0x1f: {  	s9 =	smul.u32 $0xF7A, s1;
	s8 =	simm.s32 @!p0 $0x1BF5;
	p2 =	por !p2, p0  }
0x20: {  	[sflag:s8] =	ssyncset.s32 @!p0 $0xFFFFF086;
	s6 =	sadd.s32 @!p0 s3, s7;
	s7 =	simm.s32 @!p0 $0x108  }
0x21: {  	s3 =	sadd.s32 s3, s9;
	s6 =	sadd.s32 @!p0 $0x88, s6;
	s7 =	simm.s32 @p2 $0x1082  }
0x22: {  	[simem:s7], [sflag:s8] =	dma.local @!p0 [hbm:s6], $0xF7A  }
0x23: {  	s9 =	sor.u32 $0xD0000000, s2;
	s6 =	simm.s32 $0x108;
	_ =	swait.ge @!p0 [sflag:s8], $0x0  }
0x24: {  	s3 =	sadd.s32 $0x88, s3;
	s6 =	simm.s32 @!p1 $0x1082;
	[sflag:s4] =	ssyncset.s32 $0xFFFFF086  }
0x25: {  	[simem:s6], [sflag:s4] =	dma.local [hbm:s3], $0xF7A  }
0x26: {  	[smem:$0x3F97] =	sst s1;
	(tag) =	ssettag s2;
	_ =	strace s9  }
0x27: {  	s1 =	sld [smem:$0x3FA7]  }
0x28: {  	s2 =	sld [smem:$0x3FA8]  }
0x29: {  	s4 =	sld [smem:$0x3FAA]  }
0x2a: {  	p0 =	seq.s32 s5, $0x0;
	s5 =	sld [smem:$0x3FAB]  }
0x2b: {  	s6 =	sld [smem:$0x3FAC]  }
0x2c: {  	s7 =	sld [smem:$0x3FAD]  }
0x2d: {  	s3 =	simm.s32 $0x108;
	s8 =	sld [smem:$0x3FAE]  }
0x2e: {  	s3 =	simm.s32 @!p0 $0x1082;
	s9 =	sld [smem:$0x3FAF]  }
0x2f: {  	lr =	sadd.s32 s0, s3;
	s0 =	sld [smem:$0x3FA6]  }
0x30: {  	s3 =	sld [smem:$0x3FA9]  }
0x31: {  	[smem:$0x3FB2] =	sst s10  }
0x32: {  	s10 =	sld [smem:$0x3FB0];
	_ =	sdelay $0x3  }
0x33: {  	p0 =	seq.s32 s10, $0x1;
	s10 =	sld [smem:$0x3FB2];
	_ =	sdelay $0x3  }
0x34: {  	[smem:$0x3FB2] =	sst s10  }
0x35: {  	s10 =	sld [smem:$0x3FB1];
	_ =	sdelay $0x3  }
0x36: {  	p1 =	seq.s32 s10, $0x1;
	s10 =	sld [smem:$0x3FB2];
	_ =	sdelay $0x3  }
0x37: {  	[smem:$0x3FB2] =	sst s10  }
0x38: {  	s10 =	sld [smem:$0x3FB3]  }
0x39: {  	_ = 	snop;
	(pc) =	sbr.ind lr, $3  }
0x3a: {  	_ = 	snop  }
0x3b: {  	_ = 	snop  }
0x3c: {  	p2 =	seq.s32 s10, $0x1;
	s10 =	sld [smem:$0x3FB2]  }
0x3d: {  	_ =	shalt  }
0x3e: {  	_ =	shalt  }
0x3f: {  	_ =	shalt  }
0x40: {  	_ =	shalt  }
0x41: {  	_ =	shalt  }
0x42: {  	_ =	shalt  }
0x43: {  	_ =	shalt  }
0x44: {  	_ =	shalt  }
0x45: {  	_ =	shalt  }
0x46: {  	_ =	shalt  }
0x47: {  	_ =	shalt  }
0x48: {  	_ =	shalt  }
0x49: {  	_ =	shalt  }
0x4a: {  	_ =	shalt  }
0x4b: {  	_ =	shalt  }
0x4c: {  	_ =	shalt  }
0x4d: {  	_ =	shalt  }
0x4e: {  	_ =	shalt  }
0x4f: {  	_ =	shalt  }
0x50: {  	_ =	shalt  }
0x51: {  	_ =	shalt  }
0x52: {  	_ =	shalt  }
0x53: {  	_ =	shalt  }
0x54: {  	_ =	shalt  }
0x55: {  	_ =	shalt  }
0x56: {  	_ =	shalt  }
0x57: {  	_ =	shalt  }
0x58: {  	_ =	shalt  }
0x59: {  	_ =	shalt  }
0x5a: {  	_ =	shalt  }
0x5b: {  	_ =	shalt  }
0x5c: {  	_ =	shalt  }
0x5d: {  	_ =	shalt  }
0x5e: {  	_ =	shalt  }
0x5f: {  	_ =	shalt  }
0x60: {  	_ =	shalt  }
0x61: {  	_ =	shalt  }
0x62: {  	_ =	shalt  }
0x63: {  	_ =	shalt  }
0x64: {  	_ =	shalt  }
0x65: {  	_ =	shalt  }
0x66: {  	_ =	shalt  }
0x67: {  	_ =	shalt  }
0x68: {  	_ =	shalt  }
0x69: {  	_ =	shalt  }
0x6a: {  	_ =	shalt  }
0x6b: {  	_ =	shalt  }
0x6c: {  	_ =	shalt  }
0x6d: {  	_ =	shalt  }
0x6e: {  	_ =	shalt  }
0x6f: {  	_ =	shalt  }
0x70: {  	_ =	shalt  }
0x71: {  	_ =	shalt  }
0x72: {  	_ =	shalt  }
0x73: {  	_ =	shalt  }
0x74: {  	_ =	shalt  }
0x75: {  	_ =	shalt  }
0x76: {  	_ =	shalt  }
0x77: {  	_ =	shalt  }
0x78: {  	_ =	shalt  }
0x79: {  	_ =	shalt  }
0x7a: {  	_ =	shalt  }
0x7b: {  	_ =	shalt  }
0x7c: {  	_ =	shalt  }
0x7d: {  	_ =	shalt  }
0x7e: {  	_ =	shalt  }
0x7f: {  	_ =	shalt  }
0x80: {  	_ =	shalt  }
0x81: {  	_ =	shalt  }
0x82: {  	_ =	shalt  }
0x83: {  	_ =	shalt  }
0x84: {  	_ =	shalt  }
0x85: {  	_ =	shalt  }
0x86: {  	_ =	shalt  }
0x87: {  	_ =	shalt  }
.Lfunc_end0:
.L_simem_size_0:
called_computation_lowered:
.L_overlay_start_0:
0x88: {  	s2 =	sld [smem:$0x3FD9]  }
0x89: {  	s3 =	sld [smem:$0x3FFE];
	_ =	sdelay $0x1  }
0x8a: {  	s1 =	srdreg.scid  }
0x8b: {  	s0 =	sand.u32 $0x1, s1  }
0x8c: {  	s14 =	sshll.u32 s0, $0xA;
	s2 =	sadd.s32 s3, s2  }
0x8d: {  	s2 =	sadd.s32 s2, s14  }
0x8e: {  	[smem:$0x3FBE] =	sst s2  }
0x8f: {  	_ = 	snop  }
0x90: {  	s2 =	sld [smem:$0x3FD0];
	_ =	sdelay $0x2  }
0x91: {  	s15 =	simm.s32 $0xA;
	s4 =	simm.s32 $0x10  }
0x92: {  	[smem:s4], [sflag:s15] =	dma.local [hbm:s2], $0x1  }
0x93: {  	_ =	swait.eq [sflag:s15], $0x1  }
0x94: {  	[sflag:s15] =	ssyncset.done $0x0  }
0x95: {  	s16 =	sld [smem:$0x10];
	[sflag:s15] =	ssyncadd.s32 $0xFFFFFFFF  }
0x96: {  	s17 =	sld [smem:$0x11];
	(tm) =	ssettm $0x1  }
0x97: {  	s18 =	sld [smem:$0x3FFB];
	_ =	sdelay $0x3  }
0x98: {  	_ =	strace s18  }
0x99: {  	s4 =	sld [smem:$0x3FFC];
	_ =	sdelay $0x3  }
0x9a: {  	_ =	strace s4  }
0x9b: {  	s4 =	sld [smem:$0x3FFD];
	_ =	sdelay $0x3  }
0x9c: {  	_ =	strace s4  }
0x9d: {  	_ =	strace $0x8FFFFFFF  }
0x9e: {  	s19 =	sld [smem:$0x3FDB];
	_ =	sdelay $0x1  }
0x9f: {  	s5 =	simm.s32 $_scs_section_size  }
0xa0: {  	s6 =	simm.s32 $_size__tile_overlayer_lowered;
	s7 =	simm.s32 $_tile_overlayer_lowered  }
0xa1: {  	s22 =	simm.s32 $0x1BFF;
	s21 =	sshll.u32 s7, $0x1;
	s4 =	sadd.s32 s5, s19  }
0xa2: {  	s8 =	simm.s32 $0x0;
	s20 =	sshll.u32 s6, $0x1;
	s6 =	sadd.s32 s21, s4  }
0xa3: {  	[timem:s8], [sflag:s22] =	dma.local [hbm:s6], s20  }
0xa4: {  	_ =	swait.ge [sflag:s22], s20  }
0xa5: {  	s5 =	ssub.s32 $0x0, s20;
	[sflag:s22] =	ssyncset.done $0x0  }
0xa6: {  	[sflag:s22] =	ssyncadd.s32 s5;
	_ =	sdelay $0x1  }
0xa7: {  	s23 =	simm.s32 $0x1B8B  }
0xa8: {  	_ =	swait.ge [sflag:s23], $0x1  }
0xa9: {  	[sflag:s23] =	ssyncset.done $0x0  }
0xaa: {  	s25 =	simm.s32 $0x1B8E;
	s24 =	sld [smem:$0x3FFE];
	[sflag:s23] =	ssyncadd.s32 $0xFFFFFFFF  }
0xab: {  	s26 =	simm.s32 $execute0_lowered;
	[smem:$0x3FD2] =	sst s25  }
0xac: {  	s6 =	sshll.u32 s26, $0x1;
	_ =	strace $0x80000046;
	[dreg:$0x1] =	wrdreg $0xFFFFFFFF  }
0xad: {  	s28 =	simm.s32 $_size_execute0_lowered;
	s4 =	sadd.s32 s4, s6;
	[dreg:$0x0] =	wrdreg $0x0  }
0xae: {  	s6 =	sshll.u32 s28, $0x1;
	[dreg:$0x2] =	wrdreg s4  }
0xaf: {  	[dreg:$0x3] =	wrdreg s6  }
0xb0: {  	[dreg:$0x4] =	wrdreg $0xC0  }
0xb1: {  	_ =	task [dreg:s8], $0x5FFFF  }
0xb2: {  	[dreg:$0x1] =	wrdreg $0xFFFFFFFF  }
0xb3: {  	[dreg:$0x0] =	wrdreg $0x60  }
0xb4: {  	[dreg:$0x2] =	wrdreg s24  }
0xb5: {  	[dreg:$0x3] =	wrdreg s17  }
0xb6: {  	[dreg:$0x4] =	wrdreg s16  }
0xb7: {  	[dreg:$0x5] =	wrdreg $0x57000  }
0xb8: {  	[dreg:$0x6] =	wrdreg $0x9  }
0xb9: {  	_ =	task.clear_ibuf [dreg:s8], $0x7FFFF;
	_ =	strace $0x90000046  }
0xba: {  	s29 =	simm.s32 $0x9;
	_ =	strace $0x80000048  }
0xbb: {  	_ =	swait.ge [sflag:s29], $0x1  }
0xbc: {  	[sflag:s29] =	ssyncadd.s32 $0xFFFFFFFF  }
0xbd: {  	_ =	strace $0x90000048  }
0xbe: {  	_ =	sfence  }
0xbf: {  	s30 =	sld [smem:$0x0];
	_ =	sdelay $0x2  }
0xc0: {  	s31 =	sshll.u32 s1, $0xD;
	s1 =	sshrl.u32 s1, $0x2  }
0xc1: {  	s3 =	sand.u32 $0x4000, s31;
	s1 =	sadd.s32 s1, s30  }
0xc2: {  	s0 =	sor.u32 s3, s0;
	s1 =	sshll.u32 s1, $0x11  }
0xc3: {  	s0 =	sor.u32 s1, s0  }
0xc4: {  	s0 =	sadd.s32 $0x8F2B, s0  }
0xc5: {  	[sflag:s0] =	ssyncadd.remote.s32 $0x1  }
0xc6: {  	_ =	sfence.sel $0xFFFF  }
0xc7: {  	[dreg:$0x0] =	wrdreg $0xFFFFFFFF;
	(pc) =	sbr.abs _section_cstart, $3  }
0xc8: {  	[dreg:$0x1] =	wrdreg $0xFFFFFFFF  }
0xc9: {  	_ =	task.clear_ibuf [dreg:s8], $0x2FFFF;
	_ =	strace $0x9FFFFFFF  }
0xca: {  	(tm) =	ssettm $0x7FFFFFFF  }
0xcb: {  	_ =	shalt  }
tec
execute0_lowered:
.L_overlay_start_1:
0x0: {  	(tag) =	ssettag $0x1  }
0x1: {  	s6 =	rddreg [dreg:$0x0]  }
0x2: {  	s0 =	rddreg [dreg:$0x1]  }
0x3: {  	s1 =	rddreg [dreg:$0x2]  }
0x4: {  	s2 =	srdreg.scid;
	s10 =	stileid.u32  }
0x5: {  	s3 =	rddreg [dreg:$0x3];
	s4 =	simm.s32 $0x0;
	s12 =	simm.s32 $0x5300  }
0x6: {  	s13 =	simm.s32 $0x2780;
	s15 =	simm.s32 $0x80;
	s16 =	simm.s32 $0x1  }
0x7: {  	s17 =	simm.s32 $0x0;
	s5 =	sand.u32 $0x1, s2;
	s2 =	rddreg [dreg:$0x4]  }
0x8: {  	s7 =	sshll.u32 s10, $0x1;
	[smem:$0x7FF] =	sst s4;
	p0 =	sne.s32 s10, $0x0  }
0x9: {  	s10 =	simm.s32 $0x4F00;
	s7 =	sor.u32 s5, s7;
	s8 =	smul.u32 $0x2800, s5  }
0xa: {  	_ =	strace $0x80000047;
	s9 =	ssub.s32 $0x2, s5;
	s7 =	smul.u32 $0x2780, s7  }
0xb: {  	s5 =	sadd.s32 $0x15E00, s6;
	s14 =	sshrl.u32 @!p0 s3, $0x3;
	s11 =	sshrl.u32 s9, $0x1  }
0xc: {  	s8 =	sadd.s32 s8, s6;
	s9 =	ssub.s32 s9, s11;
	s7 =	sshrl.u32 s7, $0x3  }
0xd: {  	s11 =	simm.s32 $0x2;
	s8 =	sadd.s32 $0x18600, s8;
	s7 =	sadd.s32 s7, s6  }
0xe: {  	s9 =	smax.u32 s9, $0x1;
	s6 =	sadd.s32 $0x2200, s7;
	s7 =	sadd.s32 $0xC000, s7  }
.LBB2_1:
0xf: {  	[tilespmem:s10], [sflag:$0x2] =	stream.linear.gather [hbm4b:s0+s4], $0x400, $0x38;
	[tilespmem:$0x6B00] =	vst v63  }
0x10: {  	_ =	swait.ge [sflag:s11], $0x400  }
0x11: {  	[sflag:s11] =	ssyncset.done $0x0  }
0x12: {  	[sflag:s11] =	ssyncadd.s32 $0xFFFFFC00  }
0x13: {  	[tilespmem:s12], [sflag:$0x2] =	stream.linear.gather [hbm4b:s1+s4], $0x400, $0x38;
	[tilespmem:$0x6B00] =	vst v63  }
0x14: {  	_ =	swait.ge [sflag:s11], $0x400  }
0x15: {  	[sflag:s11] =	ssyncset.done $0x0  }
0x16: {  	[sflag:s11] =	ssyncadd.s32 $0xFFFFFC00  }
0x17: {  	[tilespmem:s4], [sflag:$0x2] =	stream.linear.gather [hbm4b:s6+s4], $0x2780, $0x38;
	[tilespmem:$0x6B00] =	vst v63  }
0x18: {  	_ =	swait.ge [sflag:s11], $0x2780  }
0x19: {  	[sflag:s11] =	ssyncset.done $0x0  }
0x1a: {  	[sflag:s11] =	ssyncadd.s32 $0xFFFFD880  }
0x1b: {  	[tilespmem:s13], [sflag:$0x2] =	stream.linear.gather [hbm4b:s7+s4], $0x2780, $0x38;
	[tilespmem:$0x6B00] =	vst v63  }
0x1c: {  	_ =	swait.ge [sflag:s11], $0x2780  }
0x1d: {  	[sflag:s11] =	ssyncset.done $0x0  }
0x1e: {  	s18 =	simm.s32 @!p0 $0x1C02;
	[sflag:s11] =	ssyncadd.s32 $0xFFFFD880  }
0x1f: {  	[spmem:s14], [sflag:s18] =	dma.local @!p0 [hbm:s5], $0x2800  }
0x20: {  	s18 =	simm.s32 @!p0 $0x2  }
0x21: {  	_ =	swait.ge @!p0 [sflag:s18], $0x2800  }
0x22: {  	[sflag:s18] =	ssyncset.done @!p0 $0x0  }
0x23: {  	s31 =	simm.s32 $0x0;
	[sflag:s18] =	ssyncadd.s32 @!p0 $0xFFFFD800  }
0x24: {  	s19 =	simm.s32 $0x2780;
	s18 =	simm.s32 $0x200;
	[bflag:$0x0] =	sbarrier.arrive $0xFFFF  }
0x25: {  	[spmem:s3] =	stream.indirect.scatter.add.f32 [tilespmem:s10], [sflag:$0x1], $0x8, s31, s15, $0xb8;
	[tilespmem:$0x6B00] =	vst v63  }
.LBB2_2:
0x26: {  	[spmem:s3] =	stream.indirect.scatter.add.f32 [tilespmem:s12], [sflag:$0x1], $0x8, s19, s15, $0xb8;
	[tilespmem:$0x6B00] =	vst v63  }
0x27: {  	s19 =	smov.u32 s18;
	p1 =	sne.s32 s18, $0x9C00  }
.Ltmp0:
0x28: {  	s18 =	sadd.s32 $0x200, s18;
	(pc) =	sbr.rel @p1 .LBB2_2-.Ltmp0, $4  }
0x29: {  	_ = 	snop  }
0x2a: {  	s19 =	sshra.s32 s19, $0x2  }
0x2b: {  	[spmem:s3] =	stream.indirect.scatter.add.f32 [tilespmem:s10], [sflag:$0x1], $0x8, s19, s15, $0xb8;
	[tilespmem:$0x6B00] =	vst v63  }
0x2c: {  	s19 =	sadd.s32 $0x2780, s19  }
0x2d: {  	[spmem:s3] =	stream.indirect.scatter.add.f32 [tilespmem:s12], [sflag:$0x1], $0x8, s19, s15, $0xb8;
	[tilespmem:$0x6B00] =	vst v63  }
0x2e: {  	_ =	swait.ge [sflag:s16], $0x400  }
0x2f: {  	[sflag:s16] =	ssyncset.done $0x0  }
0x30: {  	[sflag:s16] =	ssyncadd.s32 $0xFFFFFC00  }
0x31: {  	_ =	swait.ge [sflag:s16], $0x400  }
0x32: {  	s18 =	simm.s32 $0x4E;
	[sflag:s16] =	ssyncset.done $0x0  }
.LBB2_4:
0x33: {  	p1 =	sne.s32 s18, $0x1;
	s18 =	sadd.s32 $0xFFFFFFFF, s18;
	[sflag:s16] =	ssyncadd.s32 $0xFFFFFC00  }
.Ltmp1:
0x34: {  	_ =	swait.ge [sflag:s16], $0x400;
	(pc) =	sbr.rel @p1 .LBB2_4-.Ltmp1, $4  }
0x35: {  	[sflag:s16] =	ssyncset.done $0x0  }
0x36: {  	[sflag:s16] =	ssyncadd.s32 $0xFFFFFC00  }
0x37: {  	_ =	swait.ge [sflag:s16], $0x400  }
0x38: {  	[sflag:s16] =	ssyncset.done $0x0  }
0x39: {  	[sflag:s16] =	ssyncadd.s32 $0xFFFFFC00;
	s17 =	sadd.s32 $0x1, s17  }
0x3a: {  	s18 =	simm.s32 @!p0 $0x1C02;
	[bflag:$0x0] =	sbarrier.arrive $0xFFFF;
	p1 =	sne.s32 s17, s9  }
0x3b: {  	[hbm:s8], [sflag:s18] =	dma.local @!p0 [spmem:s14], $0x2800  }
.Ltmp2:
0x3c: {  	_ = 	snop;
	(pc) =	sbr.rel @p1 .LBB2_1-.Ltmp2, $4  }
0x3d: {  	s18 =	simm.s32 @!p0 $0x2  }
0x3e: {  	_ =	swait.ge @!p0 [sflag:s18], $0x2800  }
0x3f: {  	[sflag:s18] =	ssyncset.done @!p0 $0x0  }
0x40: {  	[sflag:s18] =	ssyncadd.s32 @!p0 $0xFFFFD800  }
0x41: {  	_ =	sfence.sel $0x180000  }
0x42: {  	[bflag:$0x0] =	sbarrier.arrive $0xFFFF  }
0x43: {  	_ =	strace $0x90000047  }
0x44: {  	s0 =	sadd.s32 @!p0 $0x100000, s2;
	[bflag:$0x2] =	sbarrier.arrive $0xFFFF  }
0x45: {  	[sflag:s0] =	ssyncadd.tile.s32 @!p0 $0x1;
	_ =	shalt  }
.Lfunc_end2:
_tile_overlayer_lowered:
.L_overlay_start_2:
0x46: {  	(tag) =	ssettag $0x2  }
0x47: {  	s0 =	rddreg [dreg:$0x0];
	s2 =	stileid.u32  }
0x48: {  	s1 =	rddreg [dreg:$0x1];
	p0 =	sne.s32 s2, $0x0  }
0x49: {  	s3 =	rddreg [dreg:$0x2];
	[bflag:$0x3] =	sbarrier.arrive $0xFFFF;
	s2 =	simm.s32 @!p0 $0x1C02  }
0x4a: {  	[timem:s3], [sflag:s2] =	dma.local @!p0 [hbm:s0], s1  }
0x4b: {  	s0 =	simm.s32 @!p0 $0x2  }
0x4c: {  	_ =	swait.ge @!p0 [sflag:s0], s1  }
0x4d: {  	s1 =	ssub.s32 @!p0 $0x0, s1;
	[sflag:s0] =	ssyncset.done @!p0 $0x0  }
0x4e: {  	[sflag:s0] =	ssyncadd.s32 @!p0 s1  }
0x4f: {  	[bflag:$0x3] =	sbarrier.arrive $0xFFFF  }
0x50: {  	_ =	shalt  }

// kernel: kernel.9.cloned.1.call-start
scs
__scs_entry_jumppad:
0x0: {  	(pc) =	sbr.rel $0x88, $3  }
0x1: {  	(tag) =	ssettag $0x0;
	lr =	simm.s32 $0x1  }
0x2: {  	[smem:$0x3F97] =	sst lr;
	_ =	strace $0xD0000000  }
0x3: {  	_ = 	snop  }
0x4: {  	_ = 	snop  }
0x5: {  	_ = 	snop  }
0x6: {  	_ = 	snop  }
0x7: {  	_ = 	snop  }
__scs_overlays_trampoline_lowered:
0x8: {  	[smem:$0x3FA6] =	sst s0  }
0x9: {  	[smem:$0x3FA7] =	sst s1  }
0xa: {  	[smem:$0x3FA8] =	sst s2  }
0xb: {  	[smem:$0x3FA9] =	sst s3  }
0xc: {  	[smem:$0x3FAA] =	sst s4  }
0xd: {  	[smem:$0x3FAB] =	sst s5  }
0xe: {  	[smem:$0x3FAC] =	sst s6  }
0xf: {  	[smem:$0x3FAD] =	sst s7  }
0x10: {  	[smem:$0x3FAE] =	sst s8  }
0x11: {  	[smem:$0x3FAF] =	sst s9;
	s0 =	simm.s32 @!p0 $0x0  }
0x12: {  	s1 =	sld [smem:$0x3F95];
	s0 =	simm.s32 @p0 $0x1  }
0x13: {  	[smem:$0x3FB0] =	sst s0;
	s0 =	simm.s32 @!p1 $0x0  }
0x14: {  	s2 =	sld [smem:$0x3F94];
	s0 =	simm.s32 @p1 $0x1  }
0x15: {  	[smem:$0x3FB1] =	sst s0;
	s0 =	simm.s32 @!p2 $0x0  }
0x16: {  	s3 =	sld [smem:$0x3FDB];
	s0 =	simm.s32 @p2 $0x1  }
0x17: {  	s4 =	simm.s32 $0x1BF5;
	[smem:$0x3FB3] =	sst s0  }
0x18: {  	s0 =	sld [smem:$0x3F96];
	_ =	swait.ge [sflag:s4], $0x0  }
0x19: {  	s7 =	sld [smem:$0x3F97]  }
0x1a: {  	s8 =	sadd.s32 $0xFFFFE003, lr  }
0x1b: {  	s9 =	sadd.s32 $0xFFFFFEF7, lr;
	s5 =	simm.s32 $0xFFFFFFFF;
	p2 =	slt.u32 s8, $0xFFFFF086  }
0x1c: {  	p1 =	slt.u32 s9, $0xF7A;
	s5 =	simm.s32 @!p2 $0x0  }
0x1d: {  	s5 =	simm.s32 @p1 $0x1;
	p0 =	seq.s32 s7, s2  }
0x1e: {  	s7 =	smul.u32 @!p0 $0xF7A, s2;
	p2 =	seq.s32 @!p0 s5, $0x0  }
0x1f: {  	s9 =	smul.u32 $0xF7A, s1;
	s8 =	simm.s32 @!p0 $0x1BF5;
	p2 =	por !p2, p0  }
0x20: {  	[sflag:s8] =	ssyncset.s32 @!p0 $0xFFFFF086;
	s6 =	sadd.s32 @!p0 s3, s7;
	s7 =	simm.s32 @!p0 $0x108  }
0x21: {  	s3 =	sadd.s32 s3, s9;
	s6 =	sadd.s32 @!p0 $0x88, s6;
	s7 =	simm.s32 @p2 $0x1082  }
0x22: {  	[simem:s7], [sflag:s8] =	dma.local @!p0 [hbm:s6], $0xF7A  }
0x23: {  	s9 =	sor.u32 $0xD0000000, s2;
	s6 =	simm.s32 $0x108;
	_ =	swait.ge @!p0 [sflag:s8], $0x0  }
0x24: {  	s3 =	sadd.s32 $0x88, s3;
	s6 =	simm.s32 @!p1 $0x1082;
	[sflag:s4] =	ssyncset.s32 $0xFFFFF086  }
0x25: {  	[simem:s6], [sflag:s4] =	dma.local [hbm:s3], $0xF7A  }
0x26: {  	[smem:$0x3F97] =	sst s1;
	(tag) =	ssettag s2;
	_ =	strace s9  }
0x27: {  	s1 =	sld [smem:$0x3FA7]  }
0x28: {  	s2 =	sld [smem:$0x3FA8]  }
0x29: {  	s4 =	sld [smem:$0x3FAA]  }
0x2a: {  	p0 =	seq.s32 s5, $0x0;
	s5 =	sld [smem:$0x3FAB]  }
0x2b: {  	s6 =	sld [smem:$0x3FAC]  }
0x2c: {  	s7 =	sld [smem:$0x3FAD]  }
0x2d: {  	s3 =	simm.s32 $0x108;
	s8 =	sld [smem:$0x3FAE]  }
0x2e: {  	s3 =	simm.s32 @!p0 $0x1082;
	s9 =	sld [smem:$0x3FAF]  }
0x2f: {  	lr =	sadd.s32 s0, s3;
	s0 =	sld [smem:$0x3FA6]  }
0x30: {  	s3 =	sld [smem:$0x3FA9]  }
0x31: {  	[smem:$0x3FB2] =	sst s10  }
0x32: {  	s10 =	sld [smem:$0x3FB0];
	_ =	sdelay $0x3  }
0x33: {  	p0 =	seq.s32 s10, $0x1;
	s10 =	sld [smem:$0x3FB2];
	_ =	sdelay $0x3  }
0x34: {  	[smem:$0x3FB2] =	sst s10  }
0x35: {  	s10 =	sld [smem:$0x3FB1];
	_ =	sdelay $0x3  }
0x36: {  	p1 =	seq.s32 s10, $0x1;
	s10 =	sld [smem:$0x3FB2];
	_ =	sdelay $0x3  }
0x37: {  	[smem:$0x3FB2] =	sst s10  }
0x38: {  	s10 =	sld [smem:$0x3FB3]  }
0x39: {  	_ = 	snop;
	(pc) =	sbr.ind lr, $3  }
0x3a: {  	_ = 	snop  }
0x3b: {  	_ = 	snop  }
0x3c: {  	p2 =	seq.s32 s10, $0x1;
	s10 =	sld [smem:$0x3FB2]  }
0x3d: {  	_ =	shalt  }
0x3e: {  	_ =	shalt  }
0x3f: {  	_ =	shalt  }
0x40: {  	_ =	shalt  }
0x41: {  	_ =	shalt  }
0x42: {  	_ =	shalt  }
0x43: {  	_ =	shalt  }
0x44: {  	_ =	shalt  }
0x45: {  	_ =	shalt  }
0x46: {  	_ =	shalt  }
0x47: {  	_ =	shalt  }
0x48: {  	_ =	shalt  }
0x49: {  	_ =	shalt  }
0x4a: {  	_ =	shalt  }
0x4b: {  	_ =	shalt  }
0x4c: {  	_ =	shalt  }
0x4d: {  	_ =	shalt  }
0x4e: {  	_ =	shalt  }
0x4f: {  	_ =	shalt  }
0x50: {  	_ =	shalt  }
0x51: {  	_ =	shalt  }
0x52: {  	_ =	shalt  }
0x53: {  	_ =	shalt  }
0x54: {  	_ =	shalt  }
0x55: {  	_ =	shalt  }
0x56: {  	_ =	shalt  }
0x57: {  	_ =	shalt  }
0x58: {  	_ =	shalt  }
0x59: {  	_ =	shalt  }
0x5a: {  	_ =	shalt  }
0x5b: {  	_ =	shalt  }
0x5c: {  	_ =	shalt  }
0x5d: {  	_ =	shalt  }
0x5e: {  	_ =	shalt  }
0x5f: {  	_ =	shalt  }
0x60: {  	_ =	shalt  }
0x61: {  	_ =	shalt  }
0x62: {  	_ =	shalt  }
0x63: {  	_ =	shalt  }
0x64: {  	_ =	shalt  }
0x65: {  	_ =	shalt  }
0x66: {  	_ =	shalt  }
0x67: {  	_ =	shalt  }
0x68: {  	_ =	shalt  }
0x69: {  	_ =	shalt  }
0x6a: {  	_ =	shalt  }
0x6b: {  	_ =	shalt  }
0x6c: {  	_ =	shalt  }
0x6d: {  	_ =	shalt  }
0x6e: {  	_ =	shalt  }
0x6f: {  	_ =	shalt  }
0x70: {  	_ =	shalt  }
0x71: {  	_ =	shalt  }
0x72: {  	_ =	shalt  }
0x73: {  	_ =	shalt  }
0x74: {  	_ =	shalt  }
0x75: {  	_ =	shalt  }
0x76: {  	_ =	shalt  }
0x77: {  	_ =	shalt  }
0x78: {  	_ =	shalt  }
0x79: {  	_ =	shalt  }
0x7a: {  	_ =	shalt  }
0x7b: {  	_ =	shalt  }
0x7c: {  	_ =	shalt  }
0x7d: {  	_ =	shalt  }
0x7e: {  	_ =	shalt  }
0x7f: {  	_ =	shalt  }
0x80: {  	_ =	shalt  }
0x81: {  	_ =	shalt  }
0x82: {  	_ =	shalt  }
0x83: {  	_ =	shalt  }
0x84: {  	_ =	shalt  }
0x85: {  	_ =	shalt  }
0x86: {  	_ =	shalt  }
0x87: {  	_ =	shalt  }
.Lfunc_end0:
.L_simem_size_0:
called_computation.1_lowered:
.L_overlay_start_0:
0x88: {  	s2 =	sld [smem:$0x3FD9]  }
0x89: {  	s3 =	sld [smem:$0x3FFE];
	_ =	sdelay $0x1  }
0x8a: {  	s1 =	srdreg.scid  }
0x8b: {  	s0 =	sand.u32 $0x1, s1  }
0x8c: {  	s16 =	sshll.u32 s0, $0xA;
	s2 =	sadd.s32 s3, s2  }
0x8d: {  	s2 =	sadd.s32 s2, s16  }
0x8e: {  	[smem:$0x3FBE] =	sst s2  }
0x8f: {  	_ = 	snop  }
0x90: {  	(tm) =	ssettm $0x1  }
0x91: {  	s17 =	sld [smem:$0x3FFB];
	_ =	sdelay $0x3  }
0x92: {  	_ =	strace s17  }
0x93: {  	s2 =	sld [smem:$0x3FFC];
	_ =	sdelay $0x3  }
0x94: {  	_ =	strace s2  }
0x95: {  	s2 =	sld [smem:$0x3FFD];
	_ =	sdelay $0x3  }
0x96: {  	_ =	strace s2  }
0x97: {  	_ =	strace $0x8FFFFFFF  }
0x98: {  	s18 =	sld [smem:$0x3FDB];
	_ =	sdelay $0x1  }
0x99: {  	s19 =	simm.s32 $_scs_section_size  }
0x9a: {  	s4 =	simm.s32 $_size__tile_overlayer_lowered;
	s5 =	simm.s32 $_tile_overlayer_lowered  }
0x9b: {  	s22 =	simm.s32 $0x1BFF;
	s21 =	sshll.u32 s5, $0x1;
	s2 =	sadd.s32 s19, s18  }
0x9c: {  	s6 =	simm.s32 $0x0;
	s20 =	sshll.u32 s4, $0x1;
	s4 =	sadd.s32 s21, s2  }
0x9d: {  	[timem:s6], [sflag:s22] =	dma.local [hbm:s4], s20  }
0x9e: {  	_ =	swait.ge [sflag:s22], s20  }
0x9f: {  	s3 =	ssub.s32 $0x0, s20;
	[sflag:s22] =	ssyncset.done $0x0  }
0xa0: {  	[sflag:s22] =	ssyncadd.s32 s3;
	_ =	sdelay $0x1  }
0xa1: {  	s23 =	simm.s32 $0x1B8B  }
0xa2: {  	_ =	swait.ge [sflag:s23], $0x1  }
0xa3: {  	[sflag:s23] =	ssyncset.done $0x0  }
0xa4: {  	s25 =	simm.s32 $0x1B8E;
	s24 =	sld [smem:$0x3FFE];
	[sflag:s23] =	ssyncadd.s32 $0xFFFFFFFF  }
0xa5: {  	s26 =	simm.s32 $execute0_lowered;
	[smem:$0x3FD2] =	sst s25  }
0xa6: {  	s4 =	sshll.u32 s26, $0x1;
	_ =	strace $0x80000049;
	[dreg:$0x1] =	wrdreg $0xFFFFFFFF  }
0xa7: {  	s28 =	simm.s32 $_size_execute0_lowered;
	s2 =	sadd.s32 s2, s4;
	[dreg:$0x0] =	wrdreg $0x0  }
0xa8: {  	s4 =	sshll.u32 s28, $0x1;
	[dreg:$0x2] =	wrdreg s2  }
0xa9: {  	[dreg:$0x3] =	wrdreg s4  }
0xaa: {  	[dreg:$0x4] =	wrdreg $0xC0  }
0xab: {  	_ =	task [dreg:s6], $0x5FFFF  }
0xac: {  	[dreg:$0x1] =	wrdreg $0xFFFFFFFF  }
0xad: {  	[dreg:$0x0] =	wrdreg $0x60  }
0xae: {  	[dreg:$0x2] =	wrdreg s24  }
0xaf: {  	[dreg:$0x3] =	wrdreg $0x18B000  }
0xb0: {  	[dreg:$0x4] =	wrdreg $0x9  }
0xb1: {  	_ =	task.clear_ibuf [dreg:s6], $0x5FFFF;
	_ =	strace $0x90000049  }
0xb2: {  	s29 =	simm.s32 $0x9;
	_ =	strace $0x8000004B  }
0xb3: {  	_ =	swait.ge [sflag:s29], $0x1  }
0xb4: {  	[sflag:s29] =	ssyncadd.s32 $0xFFFFFFFF  }
0xb5: {  	_ =	strace $0x9000004B  }
0xb6: {  	_ =	sfence  }
0xb7: {  	s30 =	sld [smem:$0x0];
	_ =	sdelay $0x2  }
0xb8: {  	s31 =	sshll.u32 s1, $0xD;
	s1 =	sshrl.u32 s1, $0x2  }
0xb9: {  	s3 =	sand.u32 $0x4000, s31;
	s1 =	sadd.s32 s1, s30  }
0xba: {  	s0 =	sor.u32 s3, s0;
	s1 =	sshll.u32 s1, $0x11  }
0xbb: {  	s0 =	sor.u32 s1, s0  }
0xbc: {  	s0 =	sadd.s32 $0x8F2B, s0  }
0xbd: {  	[sflag:s0] =	ssyncadd.remote.s32 $0x1  }
0xbe: {  	_ =	sfence.sel $0xFFFF  }
0xbf: {  	[dreg:$0x0] =	wrdreg $0xFFFFFFFF;
	(pc) =	sbr.abs _section_cstart, $3  }
0xc0: {  	[dreg:$0x1] =	wrdreg $0xFFFFFFFF  }
0xc1: {  	_ =	task.clear_ibuf [dreg:s6], $0x2FFFF;
	_ =	strace $0x9FFFFFFF  }
0xc2: {  	(tm) =	ssettm $0x7FFFFFFF  }
0xc3: {  	_ =	shalt  }
tec
execute0_lowered:
.L_overlay_start_1:
0x0: {  	(tag) =	ssettag $0x1  }
0x1: {  	s5 =	rddreg [dreg:$0x0]  }
0x2: {  	s0 =	srdreg.scid;
	s9 =	stileid.u32  }
0x3: {  	s1 =	rddreg [dreg:$0x1];
	s2 =	simm.s32 $0x0;
	s12 =	simm.s32 $0x80  }
0x4: {  	s13 =	simm.s32 $0x1;
	s14 =	simm.s32 $0x2;
	s15 =	simm.s32 $0x0  }
0x5: {  	s3 =	sand.u32 $0x1, s0;
	s4 =	sshll.u32 s9, $0x1;
	s0 =	rddreg [dreg:$0x2]  }
0x6: {  	[smem:$0x7FF] =	sst s2;
	s4 =	sor.u32 s3, s4;
	s6 =	smul.u32 $0x2800, s3  }
0x7: {  	p0 =	sne.s32 s9, $0x0;
	s9 =	simm.s32 $0x3;
	s4 =	smul.u32 $0x2780, s4  }
0x8: {  	_ =	strace $0x8000004A;
	s7 =	ssub.s32 $0x2, s3;
	s3 =	sadd.s32 $0x18600, s5  }
0x9: {  	s10 =	sshrl.u32 s7, $0x1;
	s11 =	sadd.s32 s6, s5;
	s4 =	sshrl.u32 s4, $0x3  }
0xa: {  	s10 =	ssub.s32 s7, s10;
	s7 =	sadd.s32 $0x1AE00, s11;
	s8 =	sadd.s32 s4, s5  }
0xb: {  	s11 =	sshrl.u32 @!p0 s1, $0x3;
	s4 =	sadd.s32 $0x15E00, s5;
	s5 =	sadd.s32 $0x2200, s8  }
0xc: {  	s6 =	sadd.s32 $0xC000, s8;
	s8 =	smax.u32 s10, $0x1;
	s10 =	simm.s32 $0x2780  }
.LBB2_1:
0xd: {  	[tilespmem:s2], [sflag:$0x3] =	stream.linear.gather [hbm4b:s5+s2], $0x2780, $0x38;
	[tilespmem:$0x19F00] =	vst v63  }
0xe: {  	_ =	swait.ge [sflag:s9], $0x2780  }
0xf: {  	[sflag:s9] =	ssyncset.done $0x0  }
0x10: {  	[sflag:s9] =	ssyncadd.s32 $0xFFFFD880  }
0x11: {  	[tilespmem:s10], [sflag:$0x3] =	stream.linear.gather [hbm4b:s6+s2], $0x2780, $0x38;
	[tilespmem:$0x19F00] =	vst v63  }
0x12: {  	_ =	swait.ge [sflag:s9], $0x2780  }
0x13: {  	[sflag:s9] =	ssyncset.done $0x0  }
0x14: {  	s16 =	simm.s32 @!p0 $0x1C03;
	[sflag:s9] =	ssyncadd.s32 $0xFFFFD880  }
0x15: {  	[spmem:s11], [sflag:s16] =	dma.local @!p0 [hbm:s4], $0x2800  }
0x16: {  	s16 =	simm.s32 @!p0 $0x3  }
0x17: {  	_ =	swait.ge @!p0 [sflag:s16], $0x2800  }
0x18: {  	[sflag:s16] =	ssyncset.done @!p0 $0x0  }
0x19: {  	s17 =	simm.s32 $0x0;
	[sflag:s16] =	ssyncadd.s32 @!p0 $0xFFFFD800;
	s16 =	simm.s32 $0x4F00  }
.LBB2_2:
0x1a: {  	p1 =	sne.s32 s17, $0x9C00  }
.Ltmp0:
0x1b: {  	_ = 	snop;
	(pc) =	sbr.rel @p1 .LBB2_2-.Ltmp0, $4  }
0x1c: {  	_ = 	snop  }
0x1d: {  	s18 =	sshra.s32 s17, $0x2  }
0x1e: {  	[tilespmem:s16], [sflag:$0x1] =	stream.indirect.gather [hbm4b:s3+s12], $0x8, s18, s12, $0xb8;
	[tilespmem:$0x19F00] =	vst v63  }
0x1f: {  	s17 =	sadd.s32 $0x200, s17;
	s16 =	sadd.s32 $0x400, s16  }
0x20: {  	_ =	swait.ge [sflag:s13], $0x400  }
0x21: {  	s16 =	simm.s32 $0x4E;
	[sflag:s13] =	ssyncset.done $0x0  }
.LBB2_4:
0x22: {  	p1 =	sne.s32 s16, $0x1;
	s16 =	sadd.s32 $0xFFFFFFFF, s16;
	[sflag:s13] =	ssyncadd.s32 $0xFFFFFC00  }
.Ltmp1:
0x23: {  	(pc) =	sbr.rel @p1 .LBB2_4-.Ltmp1, $3  }
0x24: {  	_ =	sdelay $0x1  }
0x25: {  	_ =	swait.ge [sflag:s13], $0x400  }
0x26: {  	[sflag:s13] =	ssyncset.done $0x0  }
0x27: {  	[sflag:s13] =	ssyncadd.s32 $0xFFFFFC00  }
0x28: {  	s16 =	simm.s32 $0x0;
	s17 =	simm.s32 $0x4F00;
	[bflag:$0x0] =	sbarrier.arrive $0xFFFF  }
.LBB2_6:
0x29: {  	p1 =	sne.s32 s16, $0x9C00  }
.Ltmp2:
0x2a: {  	_ = 	snop;
	(pc) =	sbr.rel @p1 .LBB2_6-.Ltmp2, $4  }
0x2b: {  	s18 =	sshra.s32 s16, $0x2  }
0x2c: {  	s18 =	sadd.s32 $0x2780, s18  }
0x2d: {  	[spmem:s1] =	stream.indirect.scatter.add.f32 [tilespmem:s17], [sflag:$0x2], $0x8, s18, s12, $0xb8;
	[tilespmem:$0x19F00] =	vst v63  }
0x2e: {  	s16 =	sadd.s32 $0x200, s16;
	s17 =	sadd.s32 $0x400, s17  }
0x2f: {  	_ =	swait.ge [sflag:s14], $0x400  }
0x30: {  	s16 =	simm.s32 $0x4E;
	[sflag:s14] =	ssyncset.done $0x0  }
.LBB2_8:
0x31: {  	p1 =	sne.s32 s16, $0x1;
	s16 =	sadd.s32 $0xFFFFFFFF, s16;
	[sflag:s14] =	ssyncadd.s32 $0xFFFFFC00  }
.Ltmp3:
0x32: {  	(pc) =	sbr.rel @p1 .LBB2_8-.Ltmp3, $3  }
0x33: {  	_ =	sdelay $0x1  }
0x34: {  	_ =	swait.ge [sflag:s14], $0x400  }
0x35: {  	[sflag:s14] =	ssyncset.done $0x0  }
0x36: {  	[sflag:s14] =	ssyncadd.s32 $0xFFFFFC00;
	s15 =	sadd.s32 $0x1, s15  }
0x37: {  	s16 =	simm.s32 @!p0 $0x1C03;
	[bflag:$0x0] =	sbarrier.arrive $0xFFFF;
	p1 =	sne.s32 s15, s8  }
0x38: {  	[hbm:s7], [sflag:s16] =	dma.local @!p0 [spmem:s11], $0x2800  }
.Ltmp4:
0x39: {  	_ = 	snop;
	(pc) =	sbr.rel @p1 .LBB2_1-.Ltmp4, $4  }
0x3a: {  	s16 =	simm.s32 @!p0 $0x3  }
0x3b: {  	_ =	swait.ge @!p0 [sflag:s16], $0x2800  }
0x3c: {  	[sflag:s16] =	ssyncset.done @!p0 $0x0  }
0x3d: {  	[sflag:s16] =	ssyncadd.s32 @!p0 $0xFFFFD800  }
0x3e: {  	_ =	sfence.sel $0x180000  }
0x3f: {  	[bflag:$0x0] =	sbarrier.arrive $0xFFFF  }
0x40: {  	_ =	strace $0x9000004A  }
0x41: {  	s0 =	sadd.s32 @!p0 $0x100000, s0;
	[bflag:$0x2] =	sbarrier.arrive $0xFFFF  }
0x42: {  	[sflag:s0] =	ssyncadd.tile.s32 @!p0 $0x1;
	_ =	shalt  }
.Lfunc_end2:
_tile_overlayer_lowered:
.L_overlay_start_2:
0x43: {  	(tag) =	ssettag $0x2  }
0x44: {  	s0 =	rddreg [dreg:$0x0];
	s2 =	stileid.u32  }
0x45: {  	s1 =	rddreg [dreg:$0x1];
	p0 =	sne.s32 s2, $0x0  }
0x46: {  	s3 =	rddreg [dreg:$0x2];
	[bflag:$0x3] =	sbarrier.arrive $0xFFFF;
	s2 =	simm.s32 @!p0 $0x1C03  }
0x47: {  	[timem:s3], [sflag:s2] =	dma.local @!p0 [hbm:s0], s1  }
0x48: {  	s0 =	simm.s32 @!p0 $0x3  }
0x49: {  	_ =	swait.ge @!p0 [sflag:s0], s1  }
0x4a: {  	s1 =	ssub.s32 @!p0 $0x0, s1;
	[sflag:s0] =	ssyncset.done @!p0 $0x0  }
0x4b: {  	[sflag:s0] =	ssyncadd.s32 @!p0 s1  }
0x4c: {  	[bflag:$0x3] =	sbarrier.arrive $0xFFFF  }
0x4d: {  	_ =	shalt  }

</sc_bundles>
